<compile_context>
chip_gen: v7x
topology: tpu7x:2x2x1
jax: 0.10.2.dev20260603
libtpu: 0.0.44.dev20260713+nightly
codegen_flags: <defaults>
</compile_context>

<pallas_src>
import functools

import jax
import jax.numpy as jnp
from jax import lax
from jax.experimental import pallas as pl
from jax.experimental.pallas import tpu as pltpu
from jax.experimental.pallas import tpu_sc as plsc

NC = 2
NS = 16
NW = NC * NS
CH = 128
CHG = 128
RG = 2
RH = 2


def _hist_body(e, seg, edges, zeros_h, out, sidx, didx, hist_s, hist_d, red,
               obuf, stage_s, stage_d):
    cid = lax.axis_index("c")
    sid = lax.axis_index("s")
    wid = sid * NC + cid
    npad = NS * seg
    ept = e // NW
    base = wid * ept

    pltpu.sync_copy(edges.at[pl.ds(base, ept)], sidx)
    pltpu.sync_copy(edges.at[pl.ds(e + base, ept)], didx)
    pltpu.sync_copy(zeros_h, hist_s)
    pltpu.sync_copy(zeros_h, hist_d)
    ones = jnp.full((16,), 1.0, jnp.float32)

    def body(i, carry):
        plsc.addupdate_scatter(hist_s, [sidx[pl.ds(i * 16, 16)]], ones)
        plsc.addupdate_scatter(hist_d, [didx[pl.ds(i * 16, 16)]], ones)
        return carry

    lax.fori_loop(0, ept // 16, body, 0)
    pltpu.sync_copy(hist_s, stage_s.at[sid])
    pltpu.sync_copy(hist_d, stage_d.at[sid])
    plsc.subcore_barrier()

    for which, stage in ((0, stage_s), (1, stage_d)):
        pltpu.sync_copy(stage.at[:, pl.ds(sid * seg, seg)], red)

        def rbody(c, carry):
            v = red[0, pl.ds(c * 16, 16)]
            for r in range(1, NS):
                v = v + red[r, pl.ds(c * 16, 16)]
            obuf[pl.ds(c * 16, 16)] = v
            return carry

        lax.fori_loop(0, seg // 16, rbody, 0)
        pltpu.sync_copy(
            obuf, out.at[pl.ds((cid * 2 + which) * npad + sid * seg, seg)])


def _agg_body(e, cpt, rpt, h, edges, zeros_a, out, sidx, didx, rows,
              acc, gsem0, gsem1, is0, is1, id0, id1):
    isem = ((is0, id0), (is1, id1))
    cid = lax.axis_index("c")
    sid = lax.axis_index("s")
    wid = sid * NC + cid

    pltpu.sync_copy(zeros_a, acc.at[pl.ds(sid * rpt, rpt)])
    plsc.subcore_barrier()

    gsem = (gsem0, gsem1)

    def fire_idx(k, b):
        base = (wid + NW * k) * CHG

        @pl.when(base < e)
        def _():
            pltpu.async_copy(edges.at[pl.ds(base, CHG)], sidx.at[b],
                             isem[b][0])
            for j in range(CHG // CH):
                pltpu.async_copy(edges.at[pl.ds(e + base + j * CH, CH)],
                                 didx.at[b, j], isem[b][1])

    def fire_gather(k, b):
        base = (wid + NW * k) * CHG

        @pl.when(base < e)
        def _():
            pltpu.make_async_copy(edges.at[pl.ds(0, CHG)], sidx.at[b],
                                  isem[b][0]).wait()
            for j in range(CHG // CH):
                pltpu.make_async_copy(edges.at[pl.ds(0, CH)], didx.at[b, j],
                                      isem[b][1]).wait()
            pltpu.async_copy(h.at[sidx.at[b]], rows.at[b], gsem[b])

    def scat(k, b):
        base = (wid + NW * k) * CHG

        @pl.when(base < e)
        def _():
            pltpu.make_async_copy(h.at[sidx.at[b]], rows.at[b],
                                  gsem[b]).wait()
            for j in range(CHG // CH):
                pltpu.sync_copy(rows.at[b, pl.ds(j * CH, CH)],
                                acc.at[didx.at[b, j]], add=True)

    fire_idx(0, 0)
    fire_idx(1, 1)
    fire_gather(0, 0)

    def group(g, carry):
        for b in range(RG):
            k = g * RG + b
            fire_gather(k + 1, (b + 1) % RG)
            scat(k, b)
            fire_idx(k + 2, b)
        return carry

    lax.fori_loop(0, cpt // RG, group, 0)

    plsc.subcore_barrier()
    pltpu.sync_copy(acc.at[pl.ds(sid * rpt, rpt)],
                    out.at[cid, pl.ds(sid * rpt, rpt)])


def _mm_body(deg_ref, x_ref, w_ref, o_ref):
    norm = lax.rsqrt(jnp.maximum(deg_ref[...], 1.0))
    o_ref[...] = jnp.dot(x_ref[...] * norm, w_ref[...],
                         preferred_element_type=jnp.float32)


def _fin_body(p_ref, deg_ref, b_ref, x_ref, o_ref):
    agg = p_ref[0] + p_ref[1]
    norm = lax.rsqrt(jnp.maximum(deg_ref[...], 1.0))
    o = jnp.maximum(agg * norm + b_ref[...], 0.0)
    o_ref[...] = o + x_ref[...]


def kernel(feats, edge_index, W, b):
    n, d = feats.shape
    e = edge_index.shape[1]
    lcm = RG * RH
    cpt = ((e + CH * NW - 1) // (CH * NW) + lcm - 1) // lcm * lcm
    e2 = NW * cpt * CH
    seg = ((n + NS * 128 - 1) // (NS * 128)) * 128
    npad = NS * seg
    rpt = seg
    npr = NS * rpt

    mesh = plsc.VectorSubcoreMesh(core_axis_name="c", subcore_axis_name="s")
    assert e % (NW * 16) == 0
    edge_flat = edge_index.reshape(2 * e)

    hist = pl.kernel(
        functools.partial(_hist_body, e, seg),
        mesh=mesh,
        compiler_params=pltpu.CompilerParams(needs_layout_passes=False),
        out_type=jax.ShapeDtypeStruct((NC * 2 * npad,), jnp.float32),
        scratch_types=[
            pltpu.VMEM((e // NW,), jnp.int32),
            pltpu.VMEM((e // NW,), jnp.int32),
            pltpu.VMEM((npad,), jnp.float32),
            pltpu.VMEM((npad,), jnp.float32),
            pltpu.VMEM((NS, seg), jnp.float32),
            pltpu.VMEM((seg,), jnp.float32),
            pltpu.VMEM_SHARED((NS, npad), jnp.float32),
            pltpu.VMEM_SHARED((NS, npad), jnp.float32),
        ],
    )(edge_flat, jnp.zeros((npad,), jnp.float32))
    hist = hist.reshape(NC, 2, npad)

    deg_src = (hist[0, 0, :n] + hist[1, 0, :n]).reshape(n, 1)
    deg_dst = (hist[0, 1, :n] + hist[1, 1, :n]).reshape(n, 1)

    bm = 2000
    assert n % bm == 0
    h = pl.pallas_call(
        _mm_body,
        grid=(n // bm,),
        in_specs=[
            pl.BlockSpec((bm, 1), lambda i: (i, 0)),
            pl.BlockSpec((bm, d), lambda i: (i, 0)),
            pl.BlockSpec((d, d), lambda i: (0, 0)),
        ],
        out_specs=pl.BlockSpec((bm, d), lambda i: (i, 0)),
        out_shape=jax.ShapeDtypeStruct((npr, d), jnp.float32),
    )(deg_src, feats, W)

    cpt_g = cpt * CH // CHG
    assert cpt_g % RG == 0 and e % CHG == 0
    parts = pl.kernel(
        functools.partial(_agg_body, e, cpt_g, rpt),
        mesh=mesh,
        out_type=jax.ShapeDtypeStruct((NC, npr, d), jnp.float32),
        scratch_types=[
            pltpu.VMEM((RG, CHG), jnp.int32),
            pltpu.VMEM((RG, CHG // CH, CH), jnp.int32),
            pltpu.VMEM((RG, CHG, d), jnp.float32),
            pltpu.VMEM_SHARED((npr, d), jnp.float32),
        ] + [pltpu.SemaphoreType.DMA] * 6,
    )(h, edge_flat, jnp.zeros((rpt, d), jnp.float32))

    out = pl.pallas_call(
        _fin_body,
        grid=(n // bm,),
        in_specs=[
            pl.BlockSpec((NC, bm, d), lambda i: (0, i, 0)),
            pl.BlockSpec((bm, 1), lambda i: (i, 0)),
            pl.BlockSpec((1, d), lambda i: (0, 0)),
            pl.BlockSpec((bm, d), lambda i: (i, 0)),
        ],
        out_specs=pl.BlockSpec((bm, d), lambda i: (i, 0)),
        out_shape=jax.ShapeDtypeStruct((n, d), jnp.float32),
    )(parts, deg_dst, b.reshape(1, d), feats)

    return out

# --- scband reference (transcript-rebuilt; emitter-appended) ---
"""Pipeline reference for scband-gcnlayer-19636590477404 (READ-ONLY COPY).

The authoritative reference and input builder live on the scoring server;
editing this copy changes nothing except your own understanding.
"""

import jax, jax.numpy as jnp
import numpy as np

N = 10000
E = 320000
D = 128


def setup_inputs(seed: int = 0) -> dict:
    key = jax.random.key(seed)
    k1, k2, k3, k4 = jax.random.split(key, 4)
    feats = jax.random.normal(k1, (N, D), dtype=jnp.float32)
    # edge_index values in [0, N); int32 used to stay x64-safe on default jax config
    edge_index = jax.random.randint(k2, (2, E), 0, N, dtype=jnp.int32)
    # GraphConv weight (in_feats=128 -> out_feats=128) + bias
    W = jax.random.normal(k3, (D, D), dtype=jnp.float32) * (1.0 / np.sqrt(D))
    b = jnp.zeros((D,), dtype=jnp.float32)
    return {"feats": feats, "edge_index": edge_index, "W": W, "b": b}


def reference(feats, edge_index, W, b):
    src = edge_index[0]
    dst = edge_index[1]
    ones = jnp.ones((E,), dtype=jnp.float32)
    # DGL GraphConv norm='both': source nodes scaled by out-degree^-1/2,
    # destination nodes scaled by in-degree^-1/2, degrees clamped to min 1.
    deg_out = jax.ops.segment_sum(ones, src, num_segments=N)
    deg_in = jax.ops.segment_sum(ones, dst, num_segments=N)
    norm_src = jnp.clip(deg_out, 1.0, None) ** -0.5
    norm_dst = jnp.clip(deg_in, 1.0, None) ** -0.5
    h = feats * norm_src[:, None]
    # in_feats == out_feats: weight applied before aggregation (mult-first path)
    h = h @ W
    msgs = jnp.take(h, src, axis=0)          # gather along edges
    agg = jax.ops.segment_sum(msgs, dst, num_segments=N)  # scatter-add
    out = agg * norm_dst[:, None] + b
    out = jax.nn.relu(out)   # activation inside GraphConv
    out = jax.nn.relu(out)   # activation re-applied in GCNLayer.forward
    # dropout p=0.0 -> identity
    out = out + feats        # residual
    # output_norm='none'
    return out

if __name__ == "__main__":
    import jax
    _d = setup_inputs()
    print(jax.jit(kernel)(*tuple(_d.values())))

</pallas_src>

<mosaic_0001>
#map = affine_map<(d0, d1) -> (0)>
module attributes {stable_mosaic.version = 14 : i64} {
  func.func @_hist_body(%arg0: i32, %arg1: i32, %arg2: memref<640000xi32, #tpu.memory_space<hbm>>, %arg3: memref<10240xf32, #tpu.memory_space<hbm>>, %arg4: memref<40960xf32, #tpu.memory_space<hbm>>, %arg5: memref<10000xi32, #tpu.memory_space<vmem>>, %arg6: memref<10000xi32, #tpu.memory_space<vmem>>, %arg7: memref<10240xf32, #tpu.memory_space<vmem>>, %arg8: memref<10240xf32, #tpu.memory_space<vmem>>, %arg9: memref<16x640xf32, #tpu.memory_space<vmem>>, %arg10: memref<640xf32, #tpu.memory_space<vmem>>, %arg11: memref<16x10240xf32, #tpu.memory_space<vmem_shared>>, %arg12: memref<16x10240xf32, #tpu.memory_space<vmem_shared>>) attributes {dimension_semantics = [#tpu.dimension_semantics<core_parallel>, #tpu.dimension_semantics<subcore_parallel>], iteration_bounds = array<i64: 2, 16>, scalar_prefetch = 0 : i64, scratch_operands = 8 : i64, tpu.core_type = #tpu.core_type<sc_vector_subcore>, window_params = [{transform_indices = #map}, {transform_indices = #map}, {transform_indices = #map}]} {
    %mul3A = arith.constant 2 : i32
    %mul3A_0 = arith.muli %arg1, %mul3A : i32
    %add3A = arith.addi %mul3A_0, %arg0 : i32
    %mul3A_1 = arith.constant 10000 : i32
    %mul3A_2 = arith.muli %add3A, %mul3A_1 : i32
    "tpu.region"() ({
      %run_scoped3A = tpu.sem_alloc : memref<!tpu.dma_semaphore, #tpu.memory_space<semaphore_mem>>
      %dma_start3A = tpu.memref_slice %arg2[%mul3A_2] : memref<640000xi32, #tpu.memory_space<hbm>> -> memref<10000xi32, #tpu.memory_space<hbm>>
      %dma_start3A_45 = tpu.memref_slice %arg2[%mul3A_2] : memref<640000xi32, #tpu.memory_space<hbm>> -> memref<10000xi32, #tpu.memory_space<hbm>>
      tpu.enqueue_dma source(%dma_start3A_45 : memref<10000xi32, #tpu.memory_space<hbm>>) target(%arg5 : memref<10000xi32, #tpu.memory_space<vmem>>) target_semaphore(%run_scoped3A : memref<!tpu.dma_semaphore, #tpu.memory_space<semaphore_mem>>)
      %dma_wait3A = tpu.memref_slice %arg2[%mul3A_2] : memref<640000xi32, #tpu.memory_space<hbm>> -> memref<10000xi32, #tpu.memory_space<hbm>>
      %dma_wait3A_46 = tpu.memref_slice %arg2[%mul3A_2] : memref<640000xi32, #tpu.memory_space<hbm>> -> memref<10000xi32, #tpu.memory_space<hbm>>
      tpu.wait_dma2 semaphore(%run_scoped3A : memref<!tpu.dma_semaphore, #tpu.memory_space<semaphore_mem>>) src(%dma_wait3A_46 : memref<10000xi32, #tpu.memory_space<hbm>>) dst(%arg5 : memref<10000xi32, #tpu.memory_space<vmem>>)
      tpu.yield
    }) : () -> ()
    %add3A_3 = arith.constant 320000 : i32
    %add3A_4 = arith.addi %add3A_3, %mul3A_2 : i32
    "tpu.region"() ({
      %run_scoped3A = tpu.sem_alloc : memref<!tpu.dma_semaphore, #tpu.memory_space<semaphore_mem>>
      %dma_start3A = tpu.memref_slice %arg2[%add3A_4] : memref<640000xi32, #tpu.memory_space<hbm>> -> memref<10000xi32, #tpu.memory_space<hbm>>
      %dma_start3A_45 = tpu.memref_slice %arg2[%add3A_4] : memref<640000xi32, #tpu.memory_space<hbm>> -> memref<10000xi32, #tpu.memory_space<hbm>>
      tpu.enqueue_dma source(%dma_start3A_45 : memref<10000xi32, #tpu.memory_space<hbm>>) target(%arg6 : memref<10000xi32, #tpu.memory_space<vmem>>) target_semaphore(%run_scoped3A : memref<!tpu.dma_semaphore, #tpu.memory_space<semaphore_mem>>)
      %dma_wait3A = tpu.memref_slice %arg2[%add3A_4] : memref<640000xi32, #tpu.memory_space<hbm>> -> memref<10000xi32, #tpu.memory_space<hbm>>
      %dma_wait3A_46 = tpu.memref_slice %arg2[%add3A_4] : memref<640000xi32, #tpu.memory_space<hbm>> -> memref<10000xi32, #tpu.memory_space<hbm>>
      tpu.wait_dma2 semaphore(%run_scoped3A : memref<!tpu.dma_semaphore, #tpu.memory_space<semaphore_mem>>) src(%dma_wait3A_46 : memref<10000xi32, #tpu.memory_space<hbm>>) dst(%arg6 : memref<10000xi32, #tpu.memory_space<vmem>>)
      tpu.yield
    }) : () -> ()
    "tpu.region"() ({
      %run_scoped3A = tpu.sem_alloc : memref<!tpu.dma_semaphore, #tpu.memory_space<semaphore_mem>>
      tpu.enqueue_dma source(%arg3 : memref<10240xf32, #tpu.memory_space<hbm>>) target(%arg7 : memref<10240xf32, #tpu.memory_space<vmem>>) target_semaphore(%run_scoped3A : memref<!tpu.dma_semaphore, #tpu.memory_space<semaphore_mem>>)
      tpu.wait_dma2 semaphore(%run_scoped3A : memref<!tpu.dma_semaphore, #tpu.memory_space<semaphore_mem>>) src(%arg3 : memref<10240xf32, #tpu.memory_space<hbm>>) dst(%arg7 : memref<10240xf32, #tpu.memory_space<vmem>>)
      tpu.yield
    }) : () -> ()
    "tpu.region"() ({
      %run_scoped3A = tpu.sem_alloc : memref<!tpu.dma_semaphore, #tpu.memory_space<semaphore_mem>>
      tpu.enqueue_dma source(%arg3 : memref<10240xf32, #tpu.memory_space<hbm>>) target(%arg8 : memref<10240xf32, #tpu.memory_space<vmem>>) target_semaphore(%run_scoped3A : memref<!tpu.dma_semaphore, #tpu.memory_space<semaphore_mem>>)
      tpu.wait_dma2 semaphore(%run_scoped3A : memref<!tpu.dma_semaphore, #tpu.memory_space<semaphore_mem>>) src(%arg3 : memref<10240xf32, #tpu.memory_space<hbm>>) dst(%arg8 : memref<10240xf32, #tpu.memory_space<vmem>>)
      tpu.yield
    }) : () -> ()
    %broadcast_in_dim3A = arith.constant 1.000000e+00 : f32
    %broadcast_in_dim3A_5 = vector.broadcast %broadcast_in_dim3A : f32 to vector<16xf32>
    %scan3A = arith.constant 0 : i32
    %scan3A_6 = arith.constant 0 : i32
    %scan3A_7 = arith.constant 625 : i32
    %scan3A_8 = arith.addi %scan3A_6, %scan3A_7 : i32
    %scan3A_9 = arith.constant 1 : i32
    scf.for %scan3A_45 = %scan3A_6 to %scan3A_8 step %scan3A_9  : i32 {
      %mul3A_46 = arith.constant 16 : i32
      %mul3A_47 = arith.muli %scan3A_45, %mul3A_46 : i32
      %get3A = arith.index_cast %mul3A_47 : i32 to index
      %get3A_48 = tpu.vector_load %arg5[%get3A] {strides = array<i32>} : memref<10000xi32, #tpu.memory_space<vmem>>, vector<16xi32>,
      tpu.vector_store_idx %arg7[%get3A_48], %broadcast_in_dim3A_5 {add = true} : memref<10240xf32, #tpu.memory_space<vmem>>[vector<16xi32>], vector<16xf32>,
      %mul3A_49 = arith.constant 16 : i32
      %mul3A_50 = arith.muli %scan3A_45, %mul3A_49 : i32
      %get3A_51 = arith.index_cast %mul3A_50 : i32 to index
      %get3A_52 = tpu.vector_load %arg6[%get3A_51] {strides = array<i32>} : memref<10000xi32, #tpu.memory_space<vmem>>, vector<16xi32>,
      tpu.vector_store_idx %arg8[%get3A_52], %broadcast_in_dim3A_5 {add = true} : memref<10240xf32, #tpu.memory_space<vmem>>[vector<16xi32>], vector<16xf32>,
    }
    %scan3A_10 = arith.constant 625 : i32
    "tpu.region"() ({
      %run_scoped3A = tpu.sem_alloc : memref<!tpu.dma_semaphore, #tpu.memory_space<semaphore_mem>>
      %dma_start3A = arith.constant 0 : i32
      %dma_start3A_45 = tpu.memref_slice %arg11[%arg1, %dma_start3A] : memref<16x10240xf32, #tpu.memory_space<vmem_shared>> -> memref<1x10240xf32, #tpu.memory_space<vmem_shared>>
      %dma_start3A_46 = tpu.memref_squeeze %dma_start3A_45 : memref<1x10240xf32, #tpu.memory_space<vmem_shared>> -> memref<10240xf32, #tpu.memory_space<vmem_shared>>
      %dma_start3A_47 = arith.constant 0 : i32
      %dma_start3A_48 = tpu.memref_slice %arg11[%arg1, %dma_start3A_47] : memref<16x10240xf32, #tpu.memory_space<vmem_shared>> -> memref<1x10240xf32, #tpu.memory_space<vmem_shared>>
      %dma_start3A_49 = tpu.memref_squeeze %dma_start3A_48 : memref<1x10240xf32, #tpu.memory_space<vmem_shared>> -> memref<10240xf32, #tpu.memory_space<vmem_shared>>
      tpu.enqueue_dma source(%arg7 : memref<10240xf32, #tpu.memory_space<vmem>>) target(%dma_start3A_49 : memref<10240xf32, #tpu.memory_space<vmem_shared>>) target_semaphore(%run_scoped3A : memref<!tpu.dma_semaphore, #tpu.memory_space<semaphore_mem>>)
      %dma_wait3A = arith.constant 0 : i32
      %dma_wait3A_50 = tpu.memref_slice %arg11[%arg1, %dma_wait3A] : memref<16x10240xf32, #tpu.memory_space<vmem_shared>> -> memref<1x10240xf32, #tpu.memory_space<vmem_shared>>
      %dma_wait3A_51 = tpu.memref_squeeze %dma_wait3A_50 : memref<1x10240xf32, #tpu.memory_space<vmem_shared>> -> memref<10240xf32, #tpu.memory_space<vmem_shared>>
      %dma_wait3A_52 = arith.constant 0 : i32
      %dma_wait3A_53 = tpu.memref_slice %arg11[%arg1, %dma_wait3A_52] : memref<16x10240xf32, #tpu.memory_space<vmem_shared>> -> memref<1x10240xf32, #tpu.memory_space<vmem_shared>>
      %dma_wait3A_54 = tpu.memref_squeeze %dma_wait3A_53 : memref<1x10240xf32, #tpu.memory_space<vmem_shared>> -> memref<10240xf32, #tpu.memory_space<vmem_shared>>
      tpu.wait_dma2 semaphore(%run_scoped3A : memref<!tpu.dma_semaphore, #tpu.memory_space<semaphore_mem>>) src(%arg7 : memref<10240xf32, #tpu.memory_space<vmem>>) dst(%dma_wait3A_54 : memref<10240xf32, #tpu.memory_space<vmem_shared>>)
      tpu.yield
    }) : () -> ()
    "tpu.region"() ({
      %run_scoped3A = tpu.sem_alloc : memref<!tpu.dma_semaphore, #tpu.memory_space<semaphore_mem>>
      %dma_start3A = arith.constant 0 : i32
      %dma_start3A_45 = tpu.memref_slice %arg12[%arg1, %dma_start3A] : memref<16x10240xf32, #tpu.memory_space<vmem_shared>> -> memref<1x10240xf32, #tpu.memory_space<vmem_shared>>
      %dma_start3A_46 = tpu.memref_squeeze %dma_start3A_45 : memref<1x10240xf32, #tpu.memory_space<vmem_shared>> -> memref<10240xf32, #tpu.memory_space<vmem_shared>>
      %dma_start3A_47 = arith.constant 0 : i32
      %dma_start3A_48 = tpu.memref_slice %arg12[%arg1, %dma_start3A_47] : memref<16x10240xf32, #tpu.memory_space<vmem_shared>> -> memref<1x10240xf32, #tpu.memory_space<vmem_shared>>
      %dma_start3A_49 = tpu.memref_squeeze %dma_start3A_48 : memref<1x10240xf32, #tpu.memory_space<vmem_shared>> -> memref<10240xf32, #tpu.memory_space<vmem_shared>>
      tpu.enqueue_dma source(%arg8 : memref<10240xf32, #tpu.memory_space<vmem>>) target(%dma_start3A_49 : memref<10240xf32, #tpu.memory_space<vmem_shared>>) target_semaphore(%run_scoped3A : memref<!tpu.dma_semaphore, #tpu.memory_space<semaphore_mem>>)
      %dma_wait3A = arith.constant 0 : i32
      %dma_wait3A_50 = tpu.memref_slice %arg12[%arg1, %dma_wait3A] : memref<16x10240xf32, #tpu.memory_space<vmem_shared>> -> memref<1x10240xf32, #tpu.memory_space<vmem_shared>>
      %dma_wait3A_51 = tpu.memref_squeeze %dma_wait3A_50 : memref<1x10240xf32, #tpu.memory_space<vmem_shared>> -> memref<10240xf32, #tpu.memory_space<vmem_shared>>
      %dma_wait3A_52 = arith.constant 0 : i32
      %dma_wait3A_53 = tpu.memref_slice %arg12[%arg1, %dma_wait3A_52] : memref<16x10240xf32, #tpu.memory_space<vmem_shared>> -> memref<1x10240xf32, #tpu.memory_space<vmem_shared>>
      %dma_wait3A_54 = tpu.memref_squeeze %dma_wait3A_53 : memref<1x10240xf32, #tpu.memory_space<vmem_shared>> -> memref<10240xf32, #tpu.memory_space<vmem_shared>>
      tpu.wait_dma2 semaphore(%run_scoped3A : memref<!tpu.dma_semaphore, #tpu.memory_space<semaphore_mem>>) src(%arg8 : memref<10240xf32, #tpu.memory_space<vmem>>) dst(%dma_wait3A_54 : memref<10240xf32, #tpu.memory_space<vmem_shared>>)
      tpu.yield
    }) : () -> ()
    %barrier3A = arith.constant 0 : index
    tpu.barrier barrier_id(%barrier3A)
    %mul3A_11 = arith.constant 640 : i32
    %mul3A_12 = arith.muli %arg1, %mul3A_11 : i32
    "tpu.region"() ({
      %run_scoped3A = tpu.sem_alloc : memref<!tpu.dma_semaphore, #tpu.memory_space<semaphore_mem>>
      %dma_start3A = arith.constant 0 : i32
      %dma_start3A_45 = tpu.memref_slice %arg11[%dma_start3A, %mul3A_12] : memref<16x10240xf32, #tpu.memory_space<vmem_shared>> -> memref<16x640xf32, #tpu.memory_space<vmem_shared>>
      %dma_start3A_46 = arith.constant 0 : i32
      %dma_start3A_47 = tpu.memref_slice %arg11[%dma_start3A_46, %mul3A_12] : memref<16x10240xf32, #tpu.memory_space<vmem_shared>> -> memref<16x640xf32, #tpu.memory_space<vmem_shared>>
      tpu.enqueue_dma source(%dma_start3A_47 : memref<16x640xf32, #tpu.memory_space<vmem_shared>>) target(%arg9 : memref<16x640xf32, #tpu.memory_space<vmem>>) target_semaphore(%run_scoped3A : memref<!tpu.dma_semaphore, #tpu.memory_space<semaphore_mem>>)
      %dma_wait3A = arith.constant 0 : i32
      %dma_wait3A_48 = tpu.memref_slice %arg11[%dma_wait3A, %mul3A_12] : memref<16x10240xf32, #tpu.memory_space<vmem_shared>> -> memref<16x640xf32, #tpu.memory_space<vmem_shared>>
      %dma_wait3A_49 = arith.constant 0 : i32
      %dma_wait3A_50 = tpu.memref_slice %arg11[%dma_wait3A_49, %mul3A_12] : memref<16x10240xf32, #tpu.memory_space<vmem_shared>> -> memref<16x640xf32, #tpu.memory_space<vmem_shared>>
      tpu.wait_dma2 semaphore(%run_scoped3A : memref<!tpu.dma_semaphore, #tpu.memory_space<semaphore_mem>>) src(%dma_wait3A_50 : memref<16x640xf32, #tpu.memory_space<vmem_shared>>) dst(%arg9 : memref<16x640xf32, #tpu.memory_space<vmem>>)
      tpu.yield
    }) : () -> ()
    %scan3A_13 = arith.constant 0 : i32
    %scan3A_14 = arith.constant 0 : i32
    %scan3A_15 = arith.constant 40 : i32
    %scan3A_16 = arith.addi %scan3A_14, %scan3A_15 : i32
    %scan3A_17 = arith.constant 1 : i32
    scf.for %scan3A_45 = %scan3A_14 to %scan3A_16 step %scan3A_17  : i32 {
      %mul3A_46 = arith.constant 16 : i32
      %mul3A_47 = arith.muli %scan3A_45, %mul3A_46 : i32
      %get3A = arith.constant 0 : i32
      %get3A_48 = arith.index_cast %get3A : i32 to index
      %get3A_49 = arith.index_cast %mul3A_47 : i32 to index
      %get3A_50 = tpu.vector_load %arg9[%get3A_48, %get3A_49] {strides = array<i32>} : memref<16x640xf32, #tpu.memory_space<vmem>>, vector<16xf32>,
      %mul3A_51 = arith.constant 16 : i32
      %mul3A_52 = arith.muli %scan3A_45, %mul3A_51 : i32
      %get3A_53 = arith.constant 1 : i32
      %get3A_54 = arith.index_cast %get3A_53 : i32 to index
      %get3A_55 = arith.index_cast %mul3A_52 : i32 to index
      %get3A_56 = tpu.vector_load %arg9[%get3A_54, %get3A_55] {strides = array<i32>} : memref<16x640xf32, #tpu.memory_space<vmem>>, vector<16xf32>,
      %add3A_57 = arith.addf %get3A_50, %get3A_56 : vector<16xf32>
      %mul3A_58 = arith.constant 16 : i32
      %mul3A_59 = arith.muli %scan3A_45, %mul3A_58 : i32
      %get3A_60 = arith.constant 2 : i32
      %get3A_61 = arith.index_cast %get3A_60 : i32 to index
      %get3A_62 = arith.index_cast %mul3A_59 : i32 to index
      %get3A_63 = tpu.vector_load %arg9[%get3A_61, %get3A_62] {strides = array<i32>} : memref<16x640xf32, #tpu.memory_space<vmem>>, vector<16xf32>,
      %add3A_64 = arith.addf %add3A_57, %get3A_63 : vector<16xf32>
      %mul3A_65 = arith.constant 16 : i32
      %mul3A_66 = arith.muli %scan3A_45, %mul3A_65 : i32
      %get3A_67 = arith.constant 3 : i32
      %get3A_68 = arith.index_cast %get3A_67 : i32 to index
      %get3A_69 = arith.index_cast %mul3A_66 : i32 to index
      %get3A_70 = tpu.vector_load %arg9[%get3A_68, %get3A_69] {strides = array<i32>} : memref<16x640xf32, #tpu.memory_space<vmem>>, vector<16xf32>,
      %add3A_71 = arith.addf %add3A_64, %get3A_70 : vector<16xf32>
      %mul3A_72 = arith.constant 16 : i32
      %mul3A_73 = arith.muli %scan3A_45, %mul3A_72 : i32
      %get3A_74 = arith.constant 4 : i32
      %get3A_75 = arith.index_cast %get3A_74 : i32 to index
      %get3A_76 = arith.index_cast %mul3A_73 : i32 to index
      %get3A_77 = tpu.vector_load %arg9[%get3A_75, %get3A_76] {strides = array<i32>} : memref<16x640xf32, #tpu.memory_space<vmem>>, vector<16xf32>,
      %add3A_78 = arith.addf %add3A_71, %get3A_77 : vector<16xf32>
      %mul3A_79 = arith.constant 16 : i32
      %mul3A_80 = arith.muli %scan3A_45, %mul3A_79 : i32
      %get3A_81 = arith.constant 5 : i32
      %get3A_82 = arith.index_cast %get3A_81 : i32 to index
      %get3A_83 = arith.index_cast %mul3A_80 : i32 to index
      %get3A_84 = tpu.vector_load %arg9[%get3A_82, %get3A_83] {strides = array<i32>} : memref<16x640xf32, #tpu.memory_space<vmem>>, vector<16xf32>,
      %add3A_85 = arith.addf %add3A_78, %get3A_84 : vector<16xf32>
      %mul3A_86 = arith.constant 16 : i32
      %mul3A_87 = arith.muli %scan3A_45, %mul3A_86 : i32
      %get3A_88 = arith.constant 6 : i32
      %get3A_89 = arith.index_cast %get3A_88 : i32 to index
      %get3A_90 = arith.index_cast %mul3A_87 : i32 to index
      %get3A_91 = tpu.vector_load %arg9[%get3A_89, %get3A_90] {strides = array<i32>} : memref<16x640xf32, #tpu.memory_space<vmem>>, vector<16xf32>,
      %add3A_92 = arith.addf %add3A_85, %get3A_91 : vector<16xf32>
      %mul3A_93 = arith.constant 16 : i32
      %mul3A_94 = arith.muli %scan3A_45, %mul3A_93 : i32
      %get3A_95 = arith.constant 7 : i32
      %get3A_96 = arith.index_cast %get3A_95 : i32 to index
      %get3A_97 = arith.index_cast %mul3A_94 : i32 to index
      %get3A_98 = tpu.vector_load %arg9[%get3A_96, %get3A_97] {strides = array<i32>} : memref<16x640xf32, #tpu.memory_space<vmem>>, vector<16xf32>,
      %add3A_99 = arith.addf %add3A_92, %get3A_98 : vector<16xf32>
      %mul3A_100 = arith.constant 16 : i32
      %mul3A_101 = arith.muli %scan3A_45, %mul3A_100 : i32
      %get3A_102 = arith.constant 8 : i32
      %get3A_103 = arith.index_cast %get3A_102 : i32 to index
      %get3A_104 = arith.index_cast %mul3A_101 : i32 to index
      %get3A_105 = tpu.vector_load %arg9[%get3A_103, %get3A_104] {strides = array<i32>} : memref<16x640xf32, #tpu.memory_space<vmem>>, vector<16xf32>,
      %add3A_106 = arith.addf %add3A_99, %get3A_105 : vector<16xf32>
      %mul3A_107 = arith.constant 16 : i32
      %mul3A_108 = arith.muli %scan3A_45, %mul3A_107 : i32
      %get3A_109 = arith.constant 9 : i32
      %get3A_110 = arith.index_cast %get3A_109 : i32 to index
      %get3A_111 = arith.index_cast %mul3A_108 : i32 to index
      %get3A_112 = tpu.vector_load %arg9[%get3A_110, %get3A_111] {strides = array<i32>} : memref<16x640xf32, #tpu.memory_space<vmem>>, vector<16xf32>,
      %add3A_113 = arith.addf %add3A_106, %get3A_112 : vector<16xf32>
      %mul3A_114 = arith.constant 16 : i32
      %mul3A_115 = arith.muli %scan3A_45, %mul3A_114 : i32
      %get3A_116 = arith.constant 10 : i32
      %get3A_117 = arith.index_cast %get3A_116 : i32 to index
      %get3A_118 = arith.index_cast %mul3A_115 : i32 to index
      %get3A_119 = tpu.vector_load %arg9[%get3A_117, %get3A_118] {strides = array<i32>} : memref<16x640xf32, #tpu.memory_space<vmem>>, vector<16xf32>,
      %add3A_120 = arith.addf %add3A_113, %get3A_119 : vector<16xf32>
      %mul3A_121 = arith.constant 16 : i32
      %mul3A_122 = arith.muli %scan3A_45, %mul3A_121 : i32
      %get3A_123 = arith.constant 11 : i32
      %get3A_124 = arith.index_cast %get3A_123 : i32 to index
      %get3A_125 = arith.index_cast %mul3A_122 : i32 to index
      %get3A_126 = tpu.vector_load %arg9[%get3A_124, %get3A_125] {strides = array<i32>} : memref<16x640xf32, #tpu.memory_space<vmem>>, vector<16xf32>,
      %add3A_127 = arith.addf %add3A_120, %get3A_126 : vector<16xf32>
      %mul3A_128 = arith.constant 16 : i32
      %mul3A_129 = arith.muli %scan3A_45, %mul3A_128 : i32
      %get3A_130 = arith.constant 12 : i32
      %get3A_131 = arith.index_cast %get3A_130 : i32 to index
      %get3A_132 = arith.index_cast %mul3A_129 : i32 to index
      %get3A_133 = tpu.vector_load %arg9[%get3A_131, %get3A_132] {strides = array<i32>} : memref<16x640xf32, #tpu.memory_space<vmem>>, vector<16xf32>,
      %add3A_134 = arith.addf %add3A_127, %get3A_133 : vector<16xf32>
      %mul3A_135 = arith.constant 16 : i32
      %mul3A_136 = arith.muli %scan3A_45, %mul3A_135 : i32
      %get3A_137 = arith.constant 13 : i32
      %get3A_138 = arith.index_cast %get3A_137 : i32 to index
      %get3A_139 = arith.index_cast %mul3A_136 : i32 to index
      %get3A_140 = tpu.vector_load %arg9[%get3A_138, %get3A_139] {strides = array<i32>} : memref<16x640xf32, #tpu.memory_space<vmem>>, vector<16xf32>,
      %add3A_141 = arith.addf %add3A_134, %get3A_140 : vector<16xf32>
      %mul3A_142 = arith.constant 16 : i32
      %mul3A_143 = arith.muli %scan3A_45, %mul3A_142 : i32
      %get3A_144 = arith.constant 14 : i32
      %get3A_145 = arith.index_cast %get3A_144 : i32 to index
      %get3A_146 = arith.index_cast %mul3A_143 : i32 to index
      %get3A_147 = tpu.vector_load %arg9[%get3A_145, %get3A_146] {strides = array<i32>} : memref<16x640xf32, #tpu.memory_space<vmem>>, vector<16xf32>,
      %add3A_148 = arith.addf %add3A_141, %get3A_147 : vector<16xf32>
      %mul3A_149 = arith.constant 16 : i32
      %mul3A_150 = arith.muli %scan3A_45, %mul3A_149 : i32
      %get3A_151 = arith.constant 15 : i32
      %get3A_152 = arith.index_cast %get3A_151 : i32 to index
      %get3A_153 = arith.index_cast %mul3A_150 : i32 to index
      %get3A_154 = tpu.vector_load %arg9[%get3A_152, %get3A_153] {strides = array<i32>} : memref<16x640xf32, #tpu.memory_space<vmem>>, vector<16xf32>,
      %add3A_155 = arith.addf %add3A_148, %get3A_154 : vector<16xf32>
      %mul3A_156 = arith.constant 16 : i32
      %mul3A_157 = arith.muli %scan3A_45, %mul3A_156 : i32
      %swap3A = arith.index_cast %mul3A_157 : i32 to index
      %swap3A_158 = tpu.vector_load %arg10[%swap3A] {strides = array<i32>} : memref<640xf32, #tpu.memory_space<vmem>>, vector<16xf32>,
      tpu.vector_store %arg10[%swap3A], %add3A_155 {strides = array<i32>} : memref<640xf32, #tpu.memory_space<vmem>>, vector<16xf32>,
    }
    %scan3A_18 = arith.constant 40 : i32
    %mul3A_19 = arith.constant 2 : i32
    %mul3A_20 = arith.muli %arg0, %mul3A_19 : i32
    %add3A_21 = arith.constant 0 : i32
    %add3A_22 = arith.addi %mul3A_20, %add3A_21 : i32
    %mul3A_23 = arith.constant 10240 : i32
    %mul3A_24 = arith.muli %add3A_22, %mul3A_23 : i32
    %mul3A_25 = arith.constant 640 : i32
    %mul3A_26 = arith.muli %arg1, %mul3A_25 : i32
    %add3A_27 = arith.addi %mul3A_24, %mul3A_26 : i32
    "tpu.region"() ({
      %run_scoped3A = tpu.sem_alloc : memref<!tpu.dma_semaphore, #tpu.memory_space<semaphore_mem>>
      %dma_start3A = tpu.memref_slice %arg4[%add3A_27] : memref<40960xf32, #tpu.memory_space<hbm>> -> memref<640xf32, #tpu.memory_space<hbm>>
      %dma_start3A_45 = tpu.memref_slice %arg4[%add3A_27] : memref<40960xf32, #tpu.memory_space<hbm>> -> memref<640xf32, #tpu.memory_space<hbm>>
      tpu.enqueue_dma source(%arg10 : memref<640xf32, #tpu.memory_space<vmem>>) target(%dma_start3A_45 : memref<640xf32, #tpu.memory_space<hbm>>) target_semaphore(%run_scoped3A : memref<!tpu.dma_semaphore, #tpu.memory_space<semaphore_mem>>)
      %dma_wait3A = tpu.memref_slice %arg4[%add3A_27] : memref<40960xf32, #tpu.memory_space<hbm>> -> memref<640xf32, #tpu.memory_space<hbm>>
      %dma_wait3A_46 = tpu.memref_slice %arg4[%add3A_27] : memref<40960xf32, #tpu.memory_space<hbm>> -> memref<640xf32, #tpu.memory_space<hbm>>
      tpu.wait_dma2 semaphore(%run_scoped3A : memref<!tpu.dma_semaphore, #tpu.memory_space<semaphore_mem>>) src(%arg10 : memref<640xf32, #tpu.memory_space<vmem>>) dst(%dma_wait3A_46 : memref<640xf32, #tpu.memory_space<hbm>>)
      tpu.yield
    }) : () -> ()
    %mul3A_28 = arith.constant 640 : i32
    %mul3A_29 = arith.muli %arg1, %mul3A_28 : i32
    "tpu.region"() ({
      %run_scoped3A = tpu.sem_alloc : memref<!tpu.dma_semaphore, #tpu.memory_space<semaphore_mem>>
      %dma_start3A = arith.constant 0 : i32
      %dma_start3A_45 = tpu.memref_slice %arg12[%dma_start3A, %mul3A_29] : memref<16x10240xf32, #tpu.memory_space<vmem_shared>> -> memref<16x640xf32, #tpu.memory_space<vmem_shared>>
      %dma_start3A_46 = arith.constant 0 : i32
      %dma_start3A_47 = tpu.memref_slice %arg12[%dma_start3A_46, %mul3A_29] : memref<16x10240xf32, #tpu.memory_space<vmem_shared>> -> memref<16x640xf32, #tpu.memory_space<vmem_shared>>
      tpu.enqueue_dma source(%dma_start3A_47 : memref<16x640xf32, #tpu.memory_space<vmem_shared>>) target(%arg9 : memref<16x640xf32, #tpu.memory_space<vmem>>) target_semaphore(%run_scoped3A : memref<!tpu.dma_semaphore, #tpu.memory_space<semaphore_mem>>)
      %dma_wait3A = arith.constant 0 : i32
      %dma_wait3A_48 = tpu.memref_slice %arg12[%dma_wait3A, %mul3A_29] : memref<16x10240xf32, #tpu.memory_space<vmem_shared>> -> memref<16x640xf32, #tpu.memory_space<vmem_shared>>
      %dma_wait3A_49 = arith.constant 0 : i32
      %dma_wait3A_50 = tpu.memref_slice %arg12[%dma_wait3A_49, %mul3A_29] : memref<16x10240xf32, #tpu.memory_space<vmem_shared>> -> memref<16x640xf32, #tpu.memory_space<vmem_shared>>
      tpu.wait_dma2 semaphore(%run_scoped3A : memref<!tpu.dma_semaphore, #tpu.memory_space<semaphore_mem>>) src(%dma_wait3A_50 : memref<16x640xf32, #tpu.memory_space<vmem_shared>>) dst(%arg9 : memref<16x640xf32, #tpu.memory_space<vmem>>)
      tpu.yield
    }) : () -> ()
    %scan3A_30 = arith.constant 0 : i32
    %scan3A_31 = arith.constant 0 : i32
    %scan3A_32 = arith.constant 40 : i32
    %scan3A_33 = arith.addi %scan3A_31, %scan3A_32 : i32
    %scan3A_34 = arith.constant 1 : i32
    scf.for %scan3A_45 = %scan3A_31 to %scan3A_33 step %scan3A_34  : i32 {
      %mul3A_46 = arith.constant 16 : i32
      %mul3A_47 = arith.muli %scan3A_45, %mul3A_46 : i32
      %get3A = arith.constant 0 : i32
      %get3A_48 = arith.index_cast %get3A : i32 to index
      %get3A_49 = arith.index_cast %mul3A_47 : i32 to index
      %get3A_50 = tpu.vector_load %arg9[%get3A_48, %get3A_49] {strides = array<i32>} : memref<16x640xf32, #tpu.memory_space<vmem>>, vector<16xf32>,
      %mul3A_51 = arith.constant 16 : i32
      %mul3A_52 = arith.muli %scan3A_45, %mul3A_51 : i32
      %get3A_53 = arith.constant 1 : i32
      %get3A_54 = arith.index_cast %get3A_53 : i32 to index
      %get3A_55 = arith.index_cast %mul3A_52 : i32 to index
      %get3A_56 = tpu.vector_load %arg9[%get3A_54, %get3A_55] {strides = array<i32>} : memref<16x640xf32, #tpu.memory_space<vmem>>, vector<16xf32>,
      %add3A_57 = arith.addf %get3A_50, %get3A_56 : vector<16xf32>
      %mul3A_58 = arith.constant 16 : i32
      %mul3A_59 = arith.muli %scan3A_45, %mul3A_58 : i32
      %get3A_60 = arith.constant 2 : i32
      %get3A_61 = arith.index_cast %get3A_60 : i32 to index
      %get3A_62 = arith.index_cast %mul3A_59 : i32 to index
      %get3A_63 = tpu.vector_load %arg9[%get3A_61, %get3A_62] {strides = array<i32>} : memref<16x640xf32, #tpu.memory_space<vmem>>, vector<16xf32>,
      %add3A_64 = arith.addf %add3A_57, %get3A_63 : vector<16xf32>
      %mul3A_65 = arith.constant 16 : i32
      %mul3A_66 = arith.muli %scan3A_45, %mul3A_65 : i32
      %get3A_67 = arith.constant 3 : i32
      %get3A_68 = arith.index_cast %get3A_67 : i32 to index
      %get3A_69 = arith.index_cast %mul3A_66 : i32 to index
      %get3A_70 = tpu.vector_load %arg9[%get3A_68, %get3A_69] {strides = array<i32>} : memref<16x640xf32, #tpu.memory_space<vmem>>, vector<16xf32>,
      %add3A_71 = arith.addf %add3A_64, %get3A_70 : vector<16xf32>
      %mul3A_72 = arith.constant 16 : i32
      %mul3A_73 = arith.muli %scan3A_45, %mul3A_72 : i32
      %get3A_74 = arith.constant 4 : i32
      %get3A_75 = arith.index_cast %get3A_74 : i32 to index
      %get3A_76 = arith.index_cast %mul3A_73 : i32 to index
      %get3A_77 = tpu.vector_load %arg9[%get3A_75, %get3A_76] {strides = array<i32>} : memref<16x640xf32, #tpu.memory_space<vmem>>, vector<16xf32>,
      %add3A_78 = arith.addf %add3A_71, %get3A_77 : vector<16xf32>
      %mul3A_79 = arith.constant 16 : i32
      %mul3A_80 = arith.muli %scan3A_45, %mul3A_79 : i32
      %get3A_81 = arith.constant 5 : i32
      %get3A_82 = arith.index_cast %get3A_81 : i32 to index
      %get3A_83 = arith.index_cast %mul3A_80 : i32 to index
      %get3A_84 = tpu.vector_load %arg9[%get3A_82, %get3A_83] {strides = array<i32>} : memref<16x640xf32, #tpu.memory_space<vmem>>, vector<16xf32>,
      %add3A_85 = arith.addf %add3A_78, %get3A_84 : vector<16xf32>
      %mul3A_86 = arith.constant 16 : i32
      %mul3A_87 = arith.muli %scan3A_45, %mul3A_86 : i32
      %get3A_88 = arith.constant 6 : i32
      %get3A_89 = arith.index_cast %get3A_88 : i32 to index
      %get3A_90 = arith.index_cast %mul3A_87 : i32 to index
      %get3A_91 = tpu.vector_load %arg9[%get3A_89, %get3A_90] {strides = array<i32>} : memref<16x640xf32, #tpu.memory_space<vmem>>, vector<16xf32>,
      %add3A_92 = arith.addf %add3A_85, %get3A_91 : vector<16xf32>
      %mul3A_93 = arith.constant 16 : i32
      %mul3A_94 = arith.muli %scan3A_45, %mul3A_93 : i32
      %get3A_95 = arith.constant 7 : i32
      %get3A_96 = arith.index_cast %get3A_95 : i32 to index
      %get3A_97 = arith.index_cast %mul3A_94 : i32 to index
      %get3A_98 = tpu.vector_load %arg9[%get3A_96, %get3A_97] {strides = array<i32>} : memref<16x640xf32, #tpu.memory_space<vmem>>, vector<16xf32>,
      %add3A_99 = arith.addf %add3A_92, %get3A_98 : vector<16xf32>
      %mul3A_100 = arith.constant 16 : i32
      %mul3A_101 = arith.muli %scan3A_45, %mul3A_100 : i32
      %get3A_102 = arith.constant 8 : i32
      %get3A_103 = arith.index_cast %get3A_102 : i32 to index
      %get3A_104 = arith.index_cast %mul3A_101 : i32 to index
      %get3A_105 = tpu.vector_load %arg9[%get3A_103, %get3A_104] {strides = array<i32>} : memref<16x640xf32, #tpu.memory_space<vmem>>, vector<16xf32>,
      %add3A_106 = arith.addf %add3A_99, %get3A_105 : vector<16xf32>
      %mul3A_107 = arith.constant 16 : i32
      %mul3A_108 = arith.muli %scan3A_45, %mul3A_107 : i32
      %get3A_109 = arith.constant 9 : i32
      %get3A_110 = arith.index_cast %get3A_109 : i32 to index
      %get3A_111 = arith.index_cast %mul3A_108 : i32 to index
      %get3A_112 = tpu.vector_load %arg9[%get3A_110, %get3A_111] {strides = array<i32>} : memref<16x640xf32, #tpu.memory_space<vmem>>, vector<16xf32>,
      %add3A_113 = arith.addf %add3A_106, %get3A_112 : vector<16xf32>
      %mul3A_114 = arith.constant 16 : i32
      %mul3A_115 = arith.muli %scan3A_45, %mul3A_114 : i32
      %get3A_116 = arith.constant 10 : i32
      %get3A_117 = arith.index_cast %get3A_116 : i32 to index
      %get3A_118 = arith.index_cast %mul3A_115 : i32 to index
      %get3A_119 = tpu.vector_load %arg9[%get3A_117, %get3A_118] {strides = array<i32>} : memref<16x640xf32, #tpu.memory_space<vmem>>, vector<16xf32>,
      %add3A_120 = arith.addf %add3A_113, %get3A_119 : vector<16xf32>
      %mul3A_121 = arith.constant 16 : i32
      %mul3A_122 = arith.muli %scan3A_45, %mul3A_121 : i32
      %get3A_123 = arith.constant 11 : i32
      %get3A_124 = arith.index_cast %get3A_123 : i32 to index
      %get3A_125 = arith.index_cast %mul3A_122 : i32 to index
      %get3A_126 = tpu.vector_load %arg9[%get3A_124, %get3A_125] {strides = array<i32>} : memref<16x640xf32, #tpu.memory_space<vmem>>, vector<16xf32>,
      %add3A_127 = arith.addf %add3A_120, %get3A_126 : vector<16xf32>
      %mul3A_128 = arith.constant 16 : i32
      %mul3A_129 = arith.muli %scan3A_45, %mul3A_128 : i32
      %get3A_130 = arith.constant 12 : i32
      %get3A_131 = arith.index_cast %get3A_130 : i32 to index
      %get3A_132 = arith.index_cast %mul3A_129 : i32 to index
      %get3A_133 = tpu.vector_load %arg9[%get3A_131, %get3A_132] {strides = array<i32>} : memref<16x640xf32, #tpu.memory_space<vmem>>, vector<16xf32>,
      %add3A_134 = arith.addf %add3A_127, %get3A_133 : vector<16xf32>
      %mul3A_135 = arith.constant 16 : i32
      %mul3A_136 = arith.muli %scan3A_45, %mul3A_135 : i32
      %get3A_137 = arith.constant 13 : i32
      %get3A_138 = arith.index_cast %get3A_137 : i32 to index
      %get3A_139 = arith.index_cast %mul3A_136 : i32 to index
      %get3A_140 = tpu.vector_load %arg9[%get3A_138, %get3A_139] {strides = array<i32>} : memref<16x640xf32, #tpu.memory_space<vmem>>, vector<16xf32>,
      %add3A_141 = arith.addf %add3A_134, %get3A_140 : vector<16xf32>
      %mul3A_142 = arith.constant 16 : i32
      %mul3A_143 = arith.muli %scan3A_45, %mul3A_142 : i32
      %get3A_144 = arith.constant 14 : i32
      %get3A_145 = arith.index_cast %get3A_144 : i32 to index
      %get3A_146 = arith.index_cast %mul3A_143 : i32 to index
      %get3A_147 = tpu.vector_load %arg9[%get3A_145, %get3A_146] {strides = array<i32>} : memref<16x640xf32, #tpu.memory_space<vmem>>, vector<16xf32>,
      %add3A_148 = arith.addf %add3A_141, %get3A_147 : vector<16xf32>
      %mul3A_149 = arith.constant 16 : i32
      %mul3A_150 = arith.muli %scan3A_45, %mul3A_149 : i32
      %get3A_151 = arith.constant 15 : i32
      %get3A_152 = arith.index_cast %get3A_151 : i32 to index
      %get3A_153 = arith.index_cast %mul3A_150 : i32 to index
      %get3A_154 = tpu.vector_load %arg9[%get3A_152, %get3A_153] {strides = array<i32>} : memref<16x640xf32, #tpu.memory_space<vmem>>, vector<16xf32>,
      %add3A_155 = arith.addf %add3A_148, %get3A_154 : vector<16xf32>
      %mul3A_156 = arith.constant 16 : i32
      %mul3A_157 = arith.muli %scan3A_45, %mul3A_156 : i32
      %swap3A = arith.index_cast %mul3A_157 : i32 to index
      %swap3A_158 = tpu.vector_load %arg10[%swap3A] {strides = array<i32>} : memref<640xf32, #tpu.memory_space<vmem>>, vector<16xf32>,
      tpu.vector_store %arg10[%swap3A], %add3A_155 {strides = array<i32>} : memref<640xf32, #tpu.memory_space<vmem>>, vector<16xf32>,
    }
    %scan3A_35 = arith.constant 40 : i32
    %mul3A_36 = arith.constant 2 : i32
    %mul3A_37 = arith.muli %arg0, %mul3A_36 : i32
    %add3A_38 = arith.constant 1 : i32
    %add3A_39 = arith.addi %mul3A_37, %add3A_38 : i32
    %mul3A_40 = arith.constant 10240 : i32
    %mul3A_41 = arith.muli %add3A_39, %mul3A_40 : i32
    %mul3A_42 = arith.constant 640 : i32
    %mul3A_43 = arith.muli %arg1, %mul3A_42 : i32
    %add3A_44 = arith.addi %mul3A_41, %mul3A_43 : i32
    "tpu.region"() ({
      %run_scoped3A = tpu.sem_alloc : memref<!tpu.dma_semaphore, #tpu.memory_space<semaphore_mem>>
      %dma_start3A = tpu.memref_slice %arg4[%add3A_44] : memref<40960xf32, #tpu.memory_space<hbm>> -> memref<640xf32, #tpu.memory_space<hbm>>
      %dma_start3A_45 = tpu.memref_slice %arg4[%add3A_44] : memref<40960xf32, #tpu.memory_space<hbm>> -> memref<640xf32, #tpu.memory_space<hbm>>
      tpu.enqueue_dma source(%arg10 : memref<640xf32, #tpu.memory_space<vmem>>) target(%dma_start3A_45 : memref<640xf32, #tpu.memory_space<hbm>>) target_semaphore(%run_scoped3A : memref<!tpu.dma_semaphore, #tpu.memory_space<semaphore_mem>>)
      %dma_wait3A = tpu.memref_slice %arg4[%add3A_44] : memref<40960xf32, #tpu.memory_space<hbm>> -> memref<640xf32, #tpu.memory_space<hbm>>
      %dma_wait3A_46 = tpu.memref_slice %arg4[%add3A_44] : memref<40960xf32, #tpu.memory_space<hbm>> -> memref<640xf32, #tpu.memory_space<hbm>>
      tpu.wait_dma2 semaphore(%run_scoped3A : memref<!tpu.dma_semaphore, #tpu.memory_space<semaphore_mem>>) src(%arg10 : memref<640xf32, #tpu.memory_space<vmem>>) dst(%dma_wait3A_46 : memref<640xf32, #tpu.memory_space<hbm>>)
      tpu.yield
    }) : () -> ()
    return
  }
}

#map = affine_map<(d0, d1) -> (0, 0)>
#map1 = affine_map<(d0, d1) -> (0)>
#map2 = affine_map<(d0, d1) -> (0, 0, 0)>
module attributes {stable_mosaic.version = 14 : i64} {
  func.func @_agg_body(%arg0: i32, %arg1: i32, %arg2: memref<10240x128xf32, #tpu.memory_space<hbm>>, %arg3: memref<640000xi32, #tpu.memory_space<hbm>>, %arg4: memref<640x128xf32, #tpu.memory_space<hbm>>, %arg5: memref<2x10240x128xf32, #tpu.memory_space<hbm>>, %arg6: memref<2x128xi32, #tpu.memory_space<vmem>>, %arg7: memref<2x1x128xi32, #tpu.memory_space<vmem>>, %arg8: memref<2x128x128xf32, #tpu.memory_space<vmem>>, %arg9: memref<10240x128xf32, #tpu.memory_space<vmem_shared>>, %arg10: memref<!tpu.dma_semaphore, #tpu.memory_space<semaphore_mem>>, %arg11: memref<!tpu.dma_semaphore, #tpu.memory_space<semaphore_mem>>, %arg12: memref<!tpu.dma_semaphore, #tpu.memory_space<semaphore_mem>>, %arg13: memref<!tpu.dma_semaphore, #tpu.memory_space<semaphore_mem>>, %arg14: memref<!tpu.dma_semaphore, #tpu.memory_space<semaphore_mem>>, %arg15: memref<!tpu.dma_semaphore, #tpu.memory_space<semaphore_mem>>) attributes {dimension_semantics = [#tpu.dimension_semantics<core_parallel>, #tpu.dimension_semantics<subcore_parallel>], iteration_bounds = array<i64: 2, 16>, scalar_prefetch = 0 : i64, scratch_operands = 10 : i64, tpu.core_type = #tpu.core_type<sc_vector_subcore>, window_params = [{transform_indices = #map}, {transform_indices = #map1}, {transform_indices = #map}, {transform_indices = #map2}]} {
    %mul3A = arith.constant 2 : i32
    %mul3A_0 = arith.muli %arg1, %mul3A : i32
    %add3A = arith.addi %mul3A_0, %arg0 : i32
    %mul3A_1 = arith.constant 640 : i32
    %mul3A_2 = arith.muli %arg1, %mul3A_1 : i32
    "tpu.region"() ({
      %run_scoped3A = tpu.sem_alloc : memref<!tpu.dma_semaphore, #tpu.memory_space<semaphore_mem>>
      %dma_start3A = arith.constant 0 : i32
      %dma_start3A_37 = tpu.memref_slice %arg9[%mul3A_2, %dma_start3A] : memref<10240x128xf32, #tpu.memory_space<vmem_shared>> -> memref<640x128xf32, #tpu.memory_space<vmem_shared>>
      tpu.enqueue_dma source(%arg4 : memref<640x128xf32, #tpu.memory_space<hbm>>) target(%dma_start3A_37 : memref<640x128xf32, #tpu.memory_space<vmem_shared>>) target_semaphore(%run_scoped3A : memref<!tpu.dma_semaphore, #tpu.memory_space<semaphore_mem>>)
      %dma_wait3A = arith.constant 0 : i32
      %dma_wait3A_38 = tpu.memref_slice %arg9[%mul3A_2, %dma_wait3A] : memref<10240x128xf32, #tpu.memory_space<vmem_shared>> -> memref<640x128xf32, #tpu.memory_space<vmem_shared>>
      tpu.wait_dma2 semaphore(%run_scoped3A : memref<!tpu.dma_semaphore, #tpu.memory_space<semaphore_mem>>) src(%arg4 : memref<640x128xf32, #tpu.memory_space<hbm>>) dst(%dma_wait3A_38 : memref<640x128xf32, #tpu.memory_space<vmem_shared>>)
      tpu.yield
    }) : () -> ()
    %barrier3A = arith.constant 0 : index
    tpu.barrier barrier_id(%barrier3A)
    %add3A_3 = arith.constant 0 : i32
    %add3A_4 = arith.addi %add3A, %add3A_3 : i32
    %mul3A_5 = arith.constant 128 : i32
    %mul3A_6 = arith.muli %add3A_4, %mul3A_5 : i32
    %lt3A = arith.constant 320000 : i32
    %lt3A_7 = arith.cmpi slt, %mul3A_6, %lt3A : i32
    %convert_element_type3A = arith.extui %lt3A_7 : i1 to i32
    %cond3A = arith.constant 0 : i32
    %cond3A_8 = arith.cmpi ne, %convert_element_type3A, %cond3A : i32
    scf.if %cond3A_8 {
      %dma_start3A = arith.constant 0 : i32
      %dma_start3A_37 = arith.constant 0 : i32
      %dma_start3A_38 = tpu.memref_slice %arg6[%dma_start3A, %dma_start3A_37] : memref<2x128xi32, #tpu.memory_space<vmem>> -> memref<1x128xi32, #tpu.memory_space<vmem>>
      %dma_start3A_39 = tpu.memref_squeeze %dma_start3A_38 : memref<1x128xi32, #tpu.memory_space<vmem>> -> memref<128xi32, #tpu.memory_space<vmem>>
      %dma_start3A_40 = tpu.memref_slice %arg3[%mul3A_6] : memref<640000xi32, #tpu.memory_space<hbm>> -> memref<128xi32, #tpu.memory_space<hbm>>
      %dma_start3A_41 = arith.constant 0 : i32
      %dma_start3A_42 = tpu.memref_slice %arg6[%dma_start3A, %dma_start3A_41] : memref<2x128xi32, #tpu.memory_space<vmem>> -> memref<1x128xi32, #tpu.memory_space<vmem>>
      %dma_start3A_43 = tpu.memref_squeeze %dma_start3A_42 : memref<1x128xi32, #tpu.memory_space<vmem>> -> memref<128xi32, #tpu.memory_space<vmem>>
      %dma_start3A_44 = tpu.memref_slice %arg3[%mul3A_6] : memref<640000xi32, #tpu.memory_space<hbm>> -> memref<128xi32, #tpu.memory_space<hbm>>
      tpu.enqueue_dma source(%dma_start3A_44 : memref<128xi32, #tpu.memory_space<hbm>>) target(%dma_start3A_43 : memref<128xi32, #tpu.memory_space<vmem>>) target_semaphore(%arg12 : memref<!tpu.dma_semaphore, #tpu.memory_space<semaphore_mem>>)
      %add3A_45 = arith.constant 320000 : i32
      %add3A_46 = arith.addi %add3A_45, %mul3A_6 : i32
      %add3A_47 = arith.constant 0 : i32
      %add3A_48 = arith.addi %add3A_46, %add3A_47 : i32
      %dma_start3A_49 = arith.constant 0 : i32
      %dma_start3A_50 = arith.constant 0 : i32
      %dma_start3A_51 = arith.constant 0 : i32
      %dma_start3A_52 = tpu.memref_slice %arg7[%dma_start3A_49, %dma_start3A_50, %dma_start3A_51] : memref<2x1x128xi32, #tpu.memory_space<vmem>> -> memref<1x1x128xi32, #tpu.memory_space<vmem>>
      %dma_start3A_53 = tpu.memref_squeeze %dma_start3A_52 : memref<1x1x128xi32, #tpu.memory_space<vmem>> -> memref<128xi32, #tpu.memory_space<vmem>>
      %dma_start3A_54 = tpu.memref_slice %arg3[%add3A_48] : memref<640000xi32, #tpu.memory_space<hbm>> -> memref<128xi32, #tpu.memory_space<hbm>>
      %dma_start3A_55 = arith.constant 0 : i32
      %dma_start3A_56 = tpu.memref_slice %arg7[%dma_start3A_49, %dma_start3A_50, %dma_start3A_55] : memref<2x1x128xi32, #tpu.memory_space<vmem>> -> memref<1x1x128xi32, #tpu.memory_space<vmem>>
      %dma_start3A_57 = tpu.memref_squeeze %dma_start3A_56 : memref<1x1x128xi32, #tpu.memory_space<vmem>> -> memref<128xi32, #tpu.memory_space<vmem>>
      %dma_start3A_58 = tpu.memref_slice %arg3[%add3A_48] : memref<640000xi32, #tpu.memory_space<hbm>> -> memref<128xi32, #tpu.memory_space<hbm>>
      tpu.enqueue_dma source(%dma_start3A_58 : memref<128xi32, #tpu.memory_space<hbm>>) target(%dma_start3A_57 : memref<128xi32, #tpu.memory_space<vmem>>) target_semaphore(%arg14 : memref<!tpu.dma_semaphore, #tpu.memory_space<semaphore_mem>>)
    } else {
    }
    %add3A_9 = arith.constant 32 : i32
    %add3A_10 = arith.addi %add3A, %add3A_9 : i32
    %mul3A_11 = arith.constant 128 : i32
    %mul3A_12 = arith.muli %add3A_10, %mul3A_11 : i32
    %lt3A_13 = arith.constant 320000 : i32
    %lt3A_14 = arith.cmpi slt, %mul3A_12, %lt3A_13 : i32
    %convert_element_type3A_15 = arith.extui %lt3A_14 : i1 to i32
    %cond3A_16 = arith.constant 0 : i32
    %cond3A_17 = arith.cmpi ne, %convert_element_type3A_15, %cond3A_16 : i32
    scf.if %cond3A_17 {
      %dma_start3A = arith.constant 1 : i32
      %dma_start3A_37 = arith.constant 0 : i32
      %dma_start3A_38 = tpu.memref_slice %arg6[%dma_start3A, %dma_start3A_37] : memref<2x128xi32, #tpu.memory_space<vmem>> -> memref<1x128xi32, #tpu.memory_space<vmem>>
      %dma_start3A_39 = tpu.memref_squeeze %dma_start3A_38 : memref<1x128xi32, #tpu.memory_space<vmem>> -> memref<128xi32, #tpu.memory_space<vmem>>
      %dma_start3A_40 = tpu.memref_slice %arg3[%mul3A_12] : memref<640000xi32, #tpu.memory_space<hbm>> -> memref<128xi32, #tpu.memory_space<hbm>>
      %dma_start3A_41 = arith.constant 0 : i32
      %dma_start3A_42 = tpu.memref_slice %arg6[%dma_start3A, %dma_start3A_41] : memref<2x128xi32, #tpu.memory_space<vmem>> -> memref<1x128xi32, #tpu.memory_space<vmem>>
      %dma_start3A_43 = tpu.memref_squeeze %dma_start3A_42 : memref<1x128xi32, #tpu.memory_space<vmem>> -> memref<128xi32, #tpu.memory_space<vmem>>
      %dma_start3A_44 = tpu.memref_slice %arg3[%mul3A_12] : memref<640000xi32, #tpu.memory_space<hbm>> -> memref<128xi32, #tpu.memory_space<hbm>>
      tpu.enqueue_dma source(%dma_start3A_44 : memref<128xi32, #tpu.memory_space<hbm>>) target(%dma_start3A_43 : memref<128xi32, #tpu.memory_space<vmem>>) target_semaphore(%arg13 : memref<!tpu.dma_semaphore, #tpu.memory_space<semaphore_mem>>)
      %add3A_45 = arith.constant 320000 : i32
      %add3A_46 = arith.addi %add3A_45, %mul3A_12 : i32
      %add3A_47 = arith.constant 0 : i32
      %add3A_48 = arith.addi %add3A_46, %add3A_47 : i32
      %dma_start3A_49 = arith.constant 1 : i32
      %dma_start3A_50 = arith.constant 0 : i32
      %dma_start3A_51 = arith.constant 0 : i32
      %dma_start3A_52 = tpu.memref_slice %arg7[%dma_start3A_49, %dma_start3A_50, %dma_start3A_51] : memref<2x1x128xi32, #tpu.memory_space<vmem>> -> memref<1x1x128xi32, #tpu.memory_space<vmem>>
      %dma_start3A_53 = tpu.memref_squeeze %dma_start3A_52 : memref<1x1x128xi32, #tpu.memory_space<vmem>> -> memref<128xi32, #tpu.memory_space<vmem>>
      %dma_start3A_54 = tpu.memref_slice %arg3[%add3A_48] : memref<640000xi32, #tpu.memory_space<hbm>> -> memref<128xi32, #tpu.memory_space<hbm>>
      %dma_start3A_55 = arith.constant 0 : i32
      %dma_start3A_56 = tpu.memref_slice %arg7[%dma_start3A_49, %dma_start3A_50, %dma_start3A_55] : memref<2x1x128xi32, #tpu.memory_space<vmem>> -> memref<1x1x128xi32, #tpu.memory_space<vmem>>
      %dma_start3A_57 = tpu.memref_squeeze %dma_start3A_56 : memref<1x1x128xi32, #tpu.memory_space<vmem>> -> memref<128xi32, #tpu.memory_space<vmem>>
      %dma_start3A_58 = tpu.memref_slice %arg3[%add3A_48] : memref<640000xi32, #tpu.memory_space<hbm>> -> memref<128xi32, #tpu.memory_space<hbm>>
      tpu.enqueue_dma source(%dma_start3A_58 : memref<128xi32, #tpu.memory_space<hbm>>) target(%dma_start3A_57 : memref<128xi32, #tpu.memory_space<vmem>>) target_semaphore(%arg15 : memref<!tpu.dma_semaphore, #tpu.memory_space<semaphore_mem>>)
    } else {
    }
    %add3A_18 = arith.constant 0 : i32
    %add3A_19 = arith.addi %add3A, %add3A_18 : i32
    %mul3A_20 = arith.constant 128 : i32
    %mul3A_21 = arith.muli %add3A_19, %mul3A_20 : i32
    %lt3A_22 = arith.constant 320000 : i32
    %lt3A_23 = arith.cmpi slt, %mul3A_21, %lt3A_22 : i32
    %convert_element_type3A_24 = arith.extui %lt3A_23 : i1 to i32
    %cond3A_25 = arith.constant 0 : i32
    %cond3A_26 = arith.cmpi ne, %convert_element_type3A_24, %cond3A_25 : i32
    scf.if %cond3A_26 {
      %dma_wait3A = arith.constant 0 : i32
      %dma_wait3A_37 = arith.constant 0 : i32
      %dma_wait3A_38 = tpu.memref_slice %arg6[%dma_wait3A, %dma_wait3A_37] : memref<2x128xi32, #tpu.memory_space<vmem>> -> memref<1x128xi32, #tpu.memory_space<vmem>>
      %dma_wait3A_39 = tpu.memref_squeeze %dma_wait3A_38 : memref<1x128xi32, #tpu.memory_space<vmem>> -> memref<128xi32, #tpu.memory_space<vmem>>
      %dma_wait3A_40 = arith.constant 0 : i32
      %dma_wait3A_41 = tpu.memref_slice %arg3[%dma_wait3A_40] : memref<640000xi32, #tpu.memory_space<hbm>> -> memref<128xi32, #tpu.memory_space<hbm>>
      %dma_wait3A_42 = arith.constant 0 : i32
      %dma_wait3A_43 = tpu.memref_slice %arg6[%dma_wait3A, %dma_wait3A_42] : memref<2x128xi32, #tpu.memory_space<vmem>> -> memref<1x128xi32, #tpu.memory_space<vmem>>
      %dma_wait3A_44 = tpu.memref_squeeze %dma_wait3A_43 : memref<1x128xi32, #tpu.memory_space<vmem>> -> memref<128xi32, #tpu.memory_space<vmem>>
      %dma_wait3A_45 = arith.constant 0 : i32
      %dma_wait3A_46 = tpu.memref_slice %arg3[%dma_wait3A_45] : memref<640000xi32, #tpu.memory_space<hbm>> -> memref<128xi32, #tpu.memory_space<hbm>>
      tpu.wait_dma2 semaphore(%arg12 : memref<!tpu.dma_semaphore, #tpu.memory_space<semaphore_mem>>) src(%dma_wait3A_46 : memref<128xi32, #tpu.memory_space<hbm>>) dst(%dma_wait3A_44 : memref<128xi32, #tpu.memory_space<vmem>>)
      %dma_wait3A_47 = arith.constant 0 : i32
      %dma_wait3A_48 = arith.constant 0 : i32
      %dma_wait3A_49 = arith.constant 0 : i32
      %dma_wait3A_50 = tpu.memref_slice %arg7[%dma_wait3A_47, %dma_wait3A_48, %dma_wait3A_49] : memref<2x1x128xi32, #tpu.memory_space<vmem>> -> memref<1x1x128xi32, #tpu.memory_space<vmem>>
      %dma_wait3A_51 = tpu.memref_squeeze %dma_wait3A_50 : memref<1x1x128xi32, #tpu.memory_space<vmem>> -> memref<128xi32, #tpu.memory_space<vmem>>
      %dma_wait3A_52 = arith.constant 0 : i32
      %dma_wait3A_53 = tpu.memref_slice %arg3[%dma_wait3A_52] : memref<640000xi32, #tpu.memory_space<hbm>> -> memref<128xi32, #tpu.memory_space<hbm>>
      %dma_wait3A_54 = arith.constant 0 : i32
      %dma_wait3A_55 = tpu.memref_slice %arg7[%dma_wait3A_47, %dma_wait3A_48, %dma_wait3A_54] : memref<2x1x128xi32, #tpu.memory_space<vmem>> -> memref<1x1x128xi32, #tpu.memory_space<vmem>>
      %dma_wait3A_56 = tpu.memref_squeeze %dma_wait3A_55 : memref<1x1x128xi32, #tpu.memory_space<vmem>> -> memref<128xi32, #tpu.memory_space<vmem>>
      %dma_wait3A_57 = arith.constant 0 : i32
      %dma_wait3A_58 = tpu.memref_slice %arg3[%dma_wait3A_57] : memref<640000xi32, #tpu.memory_space<hbm>> -> memref<128xi32, #tpu.memory_space<hbm>>
      tpu.wait_dma2 semaphore(%arg14 : memref<!tpu.dma_semaphore, #tpu.memory_space<semaphore_mem>>) src(%dma_wait3A_58 : memref<128xi32, #tpu.memory_space<hbm>>) dst(%dma_wait3A_56 : memref<128xi32, #tpu.memory_space<vmem>>)
      %dma_start3A = arith.constant 0 : i32
      %dma_start3A_59 = arith.constant 0 : i32
      %dma_start3A_60 = arith.constant 0 : i32
      %dma_start3A_61 = arith.constant 0 : i32
      %dma_start3A_62 = tpu.memref_slice %arg8[%dma_start3A_59, %dma_start3A_60, %dma_start3A_61] : memref<2x128x128xf32, #tpu.memory_space<vmem>> -> memref<1x128x128xf32, #tpu.memory_space<vmem>>
      %dma_start3A_63 = tpu.memref_squeeze %dma_start3A_62 : memref<1x128x128xf32, #tpu.memory_space<vmem>> -> memref<128x128xf32, #tpu.memory_space<vmem>>
      %dma_start3A_64 = arith.constant 0 : i32
      %dma_start3A_65 = tpu.memref_slice %arg6[%dma_start3A, %dma_start3A_64] : memref<2x128xi32, #tpu.memory_space<vmem>> -> memref<1x128xi32, #tpu.memory_space<vmem>>
      %dma_start3A_66 = tpu.memref_squeeze %dma_start3A_65 : memref<1x128xi32, #tpu.memory_space<vmem>> -> memref<128xi32, #tpu.memory_space<vmem>>
      %dma_start3A_67 = arith.constant 0 : i32
      %dma_start3A_68 = arith.constant 0 : i32
      %dma_start3A_69 = tpu.memref_slice %arg2[%dma_start3A_67, %dma_start3A_68] : memref<10240x128xf32, #tpu.memory_space<hbm>> -> memref<10240x128xf32, #tpu.memory_space<hbm>>
      tpu.enqueue_indirect_dma source(%dma_start3A_69 : memref<10240x128xf32, #tpu.memory_space<hbm>>) target(%dma_start3A_63 : memref<128x128xf32, #tpu.memory_space<vmem>>) offsets(%dma_start3A_66 : memref<128xi32, #tpu.memory_space<vmem>>) semaphore(%arg10 : memref<!tpu.dma_semaphore, #tpu.memory_space<semaphore_mem>>)
    } else {
    }
    %scan3A = arith.constant 0 : i32
    %scan3A_27 = arith.constant 0 : i32
    %scan3A_28 = arith.constant 40 : i32
    %scan3A_29 = arith.addi %scan3A_27, %scan3A_28 : i32
    %scan3A_30 = arith.constant 1 : i32
    scf.for %scan3A_37 = %scan3A_27 to %scan3A_29 step %scan3A_30  : i32 {
      %mul3A_38 = arith.constant 2 : i32
      %mul3A_39 = arith.muli %scan3A_37, %mul3A_38 : i32
      %add3A_40 = arith.constant 0 : i32
      %add3A_41 = arith.addi %mul3A_39, %add3A_40 : i32
      %add3A_42 = arith.constant 1 : i32
      %add3A_43 = arith.addi %add3A_41, %add3A_42 : i32
      %mul3A_44 = arith.constant 32 : i32
      %mul3A_45 = arith.muli %mul3A_44, %add3A_43 : i32
      %add3A_46 = arith.addi %add3A, %mul3A_45 : i32
      %mul3A_47 = arith.constant 128 : i32
      %mul3A_48 = arith.muli %add3A_46, %mul3A_47 : i32
      %lt3A_49 = arith.constant 320000 : i32
      %lt3A_50 = arith.cmpi slt, %mul3A_48, %lt3A_49 : i32
      %convert_element_type3A_51 = arith.extui %lt3A_50 : i1 to i32
      %cond3A_52 = arith.constant 0 : i32
      %cond3A_53 = arith.cmpi ne, %convert_element_type3A_51, %cond3A_52 : i32
      scf.if %cond3A_53 {
        %dma_wait3A = arith.constant 1 : i32
        %dma_wait3A_114 = arith.constant 0 : i32
        %dma_wait3A_115 = tpu.memref_slice %arg6[%dma_wait3A, %dma_wait3A_114] : memref<2x128xi32, #tpu.memory_space<vmem>> -> memref<1x128xi32, #tpu.memory_space<vmem>>
        %dma_wait3A_116 = tpu.memref_squeeze %dma_wait3A_115 : memref<1x128xi32, #tpu.memory_space<vmem>> -> memref<128xi32, #tpu.memory_space<vmem>>
        %dma_wait3A_117 = arith.constant 0 : i32
        %dma_wait3A_118 = tpu.memref_slice %arg3[%dma_wait3A_117] : memref<640000xi32, #tpu.memory_space<hbm>> -> memref<128xi32, #tpu.memory_space<hbm>>
        %dma_wait3A_119 = arith.constant 0 : i32
        %dma_wait3A_120 = tpu.memref_slice %arg6[%dma_wait3A, %dma_wait3A_119] : memref<2x128xi32, #tpu.memory_space<vmem>> -> memref<1x128xi32, #tpu.memory_space<vmem>>
        %dma_wait3A_121 = tpu.memref_squeeze %dma_wait3A_120 : memref<1x128xi32, #tpu.memory_space<vmem>> -> memref<128xi32, #tpu.memory_space<vmem>>
        %dma_wait3A_122 = arith.constant 0 : i32
        %dma_wait3A_123 = tpu.memref_slice %arg3[%dma_wait3A_122] : memref<640000xi32, #tpu.memory_space<hbm>> -> memref<128xi32, #tpu.memory_space<hbm>>
        tpu.wait_dma2 semaphore(%arg13 : memref<!tpu.dma_semaphore, #tpu.memory_space<semaphore_mem>>) src(%dma_wait3A_123 : memref<128xi32, #tpu.memory_space<hbm>>) dst(%dma_wait3A_121 : memref<128xi32, #tpu.memory_space<vmem>>)
        %dma_wait3A_124 = arith.constant 1 : i32
        %dma_wait3A_125 = arith.constant 0 : i32
        %dma_wait3A_126 = arith.constant 0 : i32
        %dma_wait3A_127 = tpu.memref_slice %arg7[%dma_wait3A_124, %dma_wait3A_125, %dma_wait3A_126] : memref<2x1x128xi32, #tpu.memory_space<vmem>> -> memref<1x1x128xi32, #tpu.memory_space<vmem>>
        %dma_wait3A_128 = tpu.memref_squeeze %dma_wait3A_127 : memref<1x1x128xi32, #tpu.memory_space<vmem>> -> memref<128xi32, #tpu.memory_space<vmem>>
        %dma_wait3A_129 = arith.constant 0 : i32
        %dma_wait3A_130 = tpu.memref_slice %arg3[%dma_wait3A_129] : memref<640000xi32, #tpu.memory_space<hbm>> -> memref<128xi32, #tpu.memory_space<hbm>>
        %dma_wait3A_131 = arith.constant 0 : i32
        %dma_wait3A_132 = tpu.memref_slice %arg7[%dma_wait3A_124, %dma_wait3A_125, %dma_wait3A_131] : memref<2x1x128xi32, #tpu.memory_space<vmem>> -> memref<1x1x128xi32, #tpu.memory_space<vmem>>
        %dma_wait3A_133 = tpu.memref_squeeze %dma_wait3A_132 : memref<1x1x128xi32, #tpu.memory_space<vmem>> -> memref<128xi32, #tpu.memory_space<vmem>>
        %dma_wait3A_134 = arith.constant 0 : i32
        %dma_wait3A_135 = tpu.memref_slice %arg3[%dma_wait3A_134] : memref<640000xi32, #tpu.memory_space<hbm>> -> memref<128xi32, #tpu.memory_space<hbm>>
        tpu.wait_dma2 semaphore(%arg15 : memref<!tpu.dma_semaphore, #tpu.memory_space<semaphore_mem>>) src(%dma_wait3A_135 : memref<128xi32, #tpu.memory_space<hbm>>) dst(%dma_wait3A_133 : memref<128xi32, #tpu.memory_space<vmem>>)
        %dma_start3A = arith.constant 1 : i32
        %dma_start3A_136 = arith.constant 1 : i32
        %dma_start3A_137 = arith.constant 0 : i32
        %dma_start3A_138 = arith.constant 0 : i32
        %dma_start3A_139 = tpu.memref_slice %arg8[%dma_start3A_136, %dma_start3A_137, %dma_start3A_138] : memref<2x128x128xf32, #tpu.memory_space<vmem>> -> memref<1x128x128xf32, #tpu.memory_space<vmem>>
        %dma_start3A_140 = tpu.memref_squeeze %dma_start3A_139 : memref<1x128x128xf32, #tpu.memory_space<vmem>> -> memref<128x128xf32, #tpu.memory_space<vmem>>
        %dma_start3A_141 = arith.constant 0 : i32
        %dma_start3A_142 = tpu.memref_slice %arg6[%dma_start3A, %dma_start3A_141] : memref<2x128xi32, #tpu.memory_space<vmem>> -> memref<1x128xi32, #tpu.memory_space<vmem>>
        %dma_start3A_143 = tpu.memref_squeeze %dma_start3A_142 : memref<1x128xi32, #tpu.memory_space<vmem>> -> memref<128xi32, #tpu.memory_space<vmem>>
        %dma_start3A_144 = arith.constant 0 : i32
        %dma_start3A_145 = arith.constant 0 : i32
        %dma_start3A_146 = tpu.memref_slice %arg2[%dma_start3A_144, %dma_start3A_145] : memref<10240x128xf32, #tpu.memory_space<hbm>> -> memref<10240x128xf32, #tpu.memory_space<hbm>>
        tpu.enqueue_indirect_dma source(%dma_start3A_146 : memref<10240x128xf32, #tpu.memory_space<hbm>>) target(%dma_start3A_140 : memref<128x128xf32, #tpu.memory_space<vmem>>) offsets(%dma_start3A_143 : memref<128xi32, #tpu.memory_space<vmem>>) semaphore(%arg11 : memref<!tpu.dma_semaphore, #tpu.memory_space<semaphore_mem>>)
      } else {
      }
      %mul3A_54 = arith.constant 32 : i32
      %mul3A_55 = arith.muli %mul3A_54, %add3A_41 : i32
      %add3A_56 = arith.addi %add3A, %mul3A_55 : i32
      %mul3A_57 = arith.constant 128 : i32
      %mul3A_58 = arith.muli %add3A_56, %mul3A_57 : i32
      %lt3A_59 = arith.constant 320000 : i32
      %lt3A_60 = arith.cmpi slt, %mul3A_58, %lt3A_59 : i32
      %convert_element_type3A_61 = arith.extui %lt3A_60 : i1 to i32
      %cond3A_62 = arith.constant 0 : i32
      %cond3A_63 = arith.cmpi ne, %convert_element_type3A_61, %cond3A_62 : i32
      scf.if %cond3A_63 {
        %dma_wait3A = arith.constant 0 : i32
        %dma_wait3A_114 = arith.constant 0 : i32
        %dma_wait3A_115 = arith.constant 0 : i32
        %dma_wait3A_116 = arith.constant 0 : i32
        %dma_wait3A_117 = tpu.memref_slice %arg8[%dma_wait3A_114, %dma_wait3A_115, %dma_wait3A_116] : memref<2x128x128xf32, #tpu.memory_space<vmem>> -> memref<1x128x128xf32, #tpu.memory_space<vmem>>
        %dma_wait3A_118 = tpu.memref_squeeze %dma_wait3A_117 : memref<1x128x128xf32, #tpu.memory_space<vmem>> -> memref<128x128xf32, #tpu.memory_space<vmem>>
        %dma_wait3A_119 = arith.constant 0 : i32
        %dma_wait3A_120 = tpu.memref_slice %arg6[%dma_wait3A, %dma_wait3A_119] : memref<2x128xi32, #tpu.memory_space<vmem>> -> memref<1x128xi32, #tpu.memory_space<vmem>>
        %dma_wait3A_121 = tpu.memref_squeeze %dma_wait3A_120 : memref<1x128xi32, #tpu.memory_space<vmem>> -> memref<128xi32, #tpu.memory_space<vmem>>
        %dma_wait3A_122 = arith.constant 0 : i32
        %dma_wait3A_123 = arith.constant 0 : i32
        %dma_wait3A_124 = tpu.memref_slice %arg2[%dma_wait3A_122, %dma_wait3A_123] : memref<10240x128xf32, #tpu.memory_space<hbm>> -> memref<10240x128xf32, #tpu.memory_space<hbm>>
        tpu.wait_indirect_dma semaphore(%arg10 : memref<!tpu.dma_semaphore, #tpu.memory_space<semaphore_mem>>) src(%dma_wait3A_124 : memref<10240x128xf32, #tpu.memory_space<hbm>>) dst(%dma_wait3A_118 : memref<128x128xf32, #tpu.memory_space<vmem>>)
        %run_scoped3A = arith.constant 0 : i32
        %run_scoped3A_125 = arith.constant 0 : i32
        %run_scoped3A_126 = arith.constant 0 : i32
        "tpu.region"() ({
          %run_scoped3A_127 = tpu.sem_alloc : memref<!tpu.dma_semaphore, #tpu.memory_space<semaphore_mem>>
          %dma_start3A = arith.constant 0 : i32
          %dma_start3A_128 = arith.constant 0 : i32
          %dma_start3A_129 = tpu.memref_slice %arg8[%run_scoped3A, %dma_start3A, %dma_start3A_128] : memref<2x128x128xf32, #tpu.memory_space<vmem>> -> memref<1x128x128xf32, #tpu.memory_space<vmem>>
          %dma_start3A_130 = tpu.memref_squeeze %dma_start3A_129 : memref<1x128x128xf32, #tpu.memory_space<vmem>> -> memref<128x128xf32, #tpu.memory_space<vmem>>
          %dma_start3A_131 = arith.constant 0 : i32
          %dma_start3A_132 = tpu.memref_slice %arg7[%run_scoped3A_125, %run_scoped3A_126, %dma_start3A_131] : memref<2x1x128xi32, #tpu.memory_space<vmem>> -> memref<1x1x128xi32, #tpu.memory_space<vmem>>
          %dma_start3A_133 = tpu.memref_squeeze %dma_start3A_132 : memref<1x1x128xi32, #tpu.memory_space<vmem>> -> memref<128xi32, #tpu.memory_space<vmem>>
          %dma_start3A_134 = arith.constant 0 : i32
          %dma_start3A_135 = arith.constant 0 : i32
          %dma_start3A_136 = tpu.memref_slice %arg9[%dma_start3A_134, %dma_start3A_135] : memref<10240x128xf32, #tpu.memory_space<vmem_shared>> -> memref<10240x128xf32, #tpu.memory_space<vmem_shared>>
          tpu.enqueue_indirect_dma source(%dma_start3A_130 : memref<128x128xf32, #tpu.memory_space<vmem>>) target(%dma_start3A_136 : memref<10240x128xf32, #tpu.memory_space<vmem_shared>>) offsets(%dma_start3A_133 : memref<128xi32, #tpu.memory_space<vmem>>) semaphore(%run_scoped3A_127 : memref<!tpu.dma_semaphore, #tpu.memory_space<semaphore_mem>>) {add = true}
          %dma_wait3A_137 = arith.constant 0 : i32
          %dma_wait3A_138 = arith.constant 0 : i32
          %dma_wait3A_139 = tpu.memref_slice %arg8[%run_scoped3A, %dma_wait3A_137, %dma_wait3A_138] : memref<2x128x128xf32, #tpu.memory_space<vmem>> -> memref<1x128x128xf32, #tpu.memory_space<vmem>>
          %dma_wait3A_140 = tpu.memref_squeeze %dma_wait3A_139 : memref<1x128x128xf32, #tpu.memory_space<vmem>> -> memref<128x128xf32, #tpu.memory_space<vmem>>
          %dma_wait3A_141 = arith.constant 0 : i32
          %dma_wait3A_142 = tpu.memref_slice %arg7[%run_scoped3A_125, %run_scoped3A_126, %dma_wait3A_141] : memref<2x1x128xi32, #tpu.memory_space<vmem>> -> memref<1x1x128xi32, #tpu.memory_space<vmem>>
          %dma_wait3A_143 = tpu.memref_squeeze %dma_wait3A_142 : memref<1x1x128xi32, #tpu.memory_space<vmem>> -> memref<128xi32, #tpu.memory_space<vmem>>
          %dma_wait3A_144 = arith.constant 0 : i32
          %dma_wait3A_145 = arith.constant 0 : i32
          %dma_wait3A_146 = tpu.memref_slice %arg9[%dma_wait3A_144, %dma_wait3A_145] : memref<10240x128xf32, #tpu.memory_space<vmem_shared>> -> memref<10240x128xf32, #tpu.memory_space<vmem_shared>>
          tpu.wait_indirect_dma semaphore(%run_scoped3A_127 : memref<!tpu.dma_semaphore, #tpu.memory_space<semaphore_mem>>) src(%dma_wait3A_140 : memref<128x128xf32, #tpu.memory_space<vmem>>) dst(%dma_wait3A_146 : memref<10240x128xf32, #tpu.memory_space<vmem_shared>>)
          tpu.yield
        }) : () -> ()
      } else {
      }
      %add3A_64 = arith.constant 2 : i32
      %add3A_65 = arith.addi %add3A_41, %add3A_64 : i32
      %mul3A_66 = arith.constant 32 : i32
      %mul3A_67 = arith.muli %mul3A_66, %add3A_65 : i32
      %add3A_68 = arith.addi %add3A, %mul3A_67 : i32
      %mul3A_69 = arith.constant 128 : i32
      %mul3A_70 = arith.muli %add3A_68, %mul3A_69 : i32
      %lt3A_71 = arith.constant 320000 : i32
      %lt3A_72 = arith.cmpi slt, %mul3A_70, %lt3A_71 : i32
      %convert_element_type3A_73 = arith.extui %lt3A_72 : i1 to i32
      %cond3A_74 = arith.constant 0 : i32
      %cond3A_75 = arith.cmpi ne, %convert_element_type3A_73, %cond3A_74 : i32
      scf.if %cond3A_75 {
        %dma_start3A = arith.constant 0 : i32
        %dma_start3A_114 = arith.constant 0 : i32
        %dma_start3A_115 = tpu.memref_slice %arg6[%dma_start3A, %dma_start3A_114] : memref<2x128xi32, #tpu.memory_space<vmem>> -> memref<1x128xi32, #tpu.memory_space<vmem>>
        %dma_start3A_116 = tpu.memref_squeeze %dma_start3A_115 : memref<1x128xi32, #tpu.memory_space<vmem>> -> memref<128xi32, #tpu.memory_space<vmem>>
        %dma_start3A_117 = tpu.memref_slice %arg3[%mul3A_70] : memref<640000xi32, #tpu.memory_space<hbm>> -> memref<128xi32, #tpu.memory_space<hbm>>
        %dma_start3A_118 = arith.constant 0 : i32
        %dma_start3A_119 = tpu.memref_slice %arg6[%dma_start3A, %dma_start3A_118] : memref<2x128xi32, #tpu.memory_space<vmem>> -> memref<1x128xi32, #tpu.memory_space<vmem>>
        %dma_start3A_120 = tpu.memref_squeeze %dma_start3A_119 : memref<1x128xi32, #tpu.memory_space<vmem>> -> memref<128xi32, #tpu.memory_space<vmem>>
        %dma_start3A_121 = tpu.memref_slice %arg3[%mul3A_70] : memref<640000xi32, #tpu.memory_space<hbm>> -> memref<128xi32, #tpu.memory_space<hbm>>
        tpu.enqueue_dma source(%dma_start3A_121 : memref<128xi32, #tpu.memory_space<hbm>>) target(%dma_start3A_120 : memref<128xi32, #tpu.memory_space<vmem>>) target_semaphore(%arg12 : memref<!tpu.dma_semaphore, #tpu.memory_space<semaphore_mem>>)
        %add3A_122 = arith.constant 320000 : i32
        %add3A_123 = arith.addi %add3A_122, %mul3A_70 : i32
        %add3A_124 = arith.constant 0 : i32
        %add3A_125 = arith.addi %add3A_123, %add3A_124 : i32
        %dma_start3A_126 = arith.constant 0 : i32
        %dma_start3A_127 = arith.constant 0 : i32
        %dma_start3A_128 = arith.constant 0 : i32
        %dma_start3A_129 = tpu.memref_slice %arg7[%dma_start3A_126, %dma_start3A_127, %dma_start3A_128] : memref<2x1x128xi32, #tpu.memory_space<vmem>> -> memref<1x1x128xi32, #tpu.memory_space<vmem>>
        %dma_start3A_130 = tpu.memref_squeeze %dma_start3A_129 : memref<1x1x128xi32, #tpu.memory_space<vmem>> -> memref<128xi32, #tpu.memory_space<vmem>>
        %dma_start3A_131 = tpu.memref_slice %arg3[%add3A_125] : memref<640000xi32, #tpu.memory_space<hbm>> -> memref<128xi32, #tpu.memory_space<hbm>>
        %dma_start3A_132 = arith.constant 0 : i32
        %dma_start3A_133 = tpu.memref_slice %arg7[%dma_start3A_126, %dma_start3A_127, %dma_start3A_132] : memref<2x1x128xi32, #tpu.memory_space<vmem>> -> memref<1x1x128xi32, #tpu.memory_space<vmem>>
        %dma_start3A_134 = tpu.memref_squeeze %dma_start3A_133 : memref<1x1x128xi32, #tpu.memory_space<vmem>> -> memref<128xi32, #tpu.memory_space<vmem>>
        %dma_start3A_135 = tpu.memref_slice %arg3[%add3A_125] : memref<640000xi32, #tpu.memory_space<hbm>> -> memref<128xi32, #tpu.memory_space<hbm>>
        tpu.enqueue_dma source(%dma_start3A_135 : memref<128xi32, #tpu.memory_space<hbm>>) target(%dma_start3A_134 : memref<128xi32, #tpu.memory_space<vmem>>) target_semaphore(%arg14 : memref<!tpu.dma_semaphore, #tpu.memory_space<semaphore_mem>>)
      } else {
      }
      %mul3A_76 = arith.constant 2 : i32
      %mul3A_77 = arith.muli %scan3A_37, %mul3A_76 : i32
      %add3A_78 = arith.constant 1 : i32
      %add3A_79 = arith.addi %mul3A_77, %add3A_78 : i32
      %add3A_80 = arith.constant 1 : i32
      %add3A_81 = arith.addi %add3A_79, %add3A_80 : i32
      %mul3A_82 = arith.constant 32 : i32
      %mul3A_83 = arith.muli %mul3A_82, %add3A_81 : i32
      %add3A_84 = arith.addi %add3A, %mul3A_83 : i32
      %mul3A_85 = arith.constant 128 : i32
      %mul3A_86 = arith.muli %add3A_84, %mul3A_85 : i32
      %lt3A_87 = arith.constant 320000 : i32
      %lt3A_88 = arith.cmpi slt, %mul3A_86, %lt3A_87 : i32
      %convert_element_type3A_89 = arith.extui %lt3A_88 : i1 to i32
      %cond3A_90 = arith.constant 0 : i32
      %cond3A_91 = arith.cmpi ne, %convert_element_type3A_89, %cond3A_90 : i32
      scf.if %cond3A_91 {
        %dma_wait3A = arith.constant 0 : i32
        %dma_wait3A_114 = arith.constant 0 : i32
        %dma_wait3A_115 = tpu.memref_slice %arg6[%dma_wait3A, %dma_wait3A_114] : memref<2x128xi32, #tpu.memory_space<vmem>> -> memref<1x128xi32, #tpu.memory_space<vmem>>
        %dma_wait3A_116 = tpu.memref_squeeze %dma_wait3A_115 : memref<1x128xi32, #tpu.memory_space<vmem>> -> memref<128xi32, #tpu.memory_space<vmem>>
        %dma_wait3A_117 = arith.constant 0 : i32
        %dma_wait3A_118 = tpu.memref_slice %arg3[%dma_wait3A_117] : memref<640000xi32, #tpu.memory_space<hbm>> -> memref<128xi32, #tpu.memory_space<hbm>>
        %dma_wait3A_119 = arith.constant 0 : i32
        %dma_wait3A_120 = tpu.memref_slice %arg6[%dma_wait3A, %dma_wait3A_119] : memref<2x128xi32, #tpu.memory_space<vmem>> -> memref<1x128xi32, #tpu.memory_space<vmem>>
        %dma_wait3A_121 = tpu.memref_squeeze %dma_wait3A_120 : memref<1x128xi32, #tpu.memory_space<vmem>> -> memref<128xi32, #tpu.memory_space<vmem>>
        %dma_wait3A_122 = arith.constant 0 : i32
        %dma_wait3A_123 = tpu.memref_slice %arg3[%dma_wait3A_122] : memref<640000xi32, #tpu.memory_space<hbm>> -> memref<128xi32, #tpu.memory_space<hbm>>
        tpu.wait_dma2 semaphore(%arg12 : memref<!tpu.dma_semaphore, #tpu.memory_space<semaphore_mem>>) src(%dma_wait3A_123 : memref<128xi32, #tpu.memory_space<hbm>>) dst(%dma_wait3A_121 : memref<128xi32, #tpu.memory_space<vmem>>)
        %dma_wait3A_124 = arith.constant 0 : i32
        %dma_wait3A_125 = arith.constant 0 : i32
        %dma_wait3A_126 = arith.constant 0 : i32
        %dma_wait3A_127 = tpu.memref_slice %arg7[%dma_wait3A_124, %dma_wait3A_125, %dma_wait3A_126] : memref<2x1x128xi32, #tpu.memory_space<vmem>> -> memref<1x1x128xi32, #tpu.memory_space<vmem>>
        %dma_wait3A_128 = tpu.memref_squeeze %dma_wait3A_127 : memref<1x1x128xi32, #tpu.memory_space<vmem>> -> memref<128xi32, #tpu.memory_space<vmem>>
        %dma_wait3A_129 = arith.constant 0 : i32
        %dma_wait3A_130 = tpu.memref_slice %arg3[%dma_wait3A_129] : memref<640000xi32, #tpu.memory_space<hbm>> -> memref<128xi32, #tpu.memory_space<hbm>>
        %dma_wait3A_131 = arith.constant 0 : i32
        %dma_wait3A_132 = tpu.memref_slice %arg7[%dma_wait3A_124, %dma_wait3A_125, %dma_wait3A_131] : memref<2x1x128xi32, #tpu.memory_space<vmem>> -> memref<1x1x128xi32, #tpu.memory_space<vmem>>
        %dma_wait3A_133 = tpu.memref_squeeze %dma_wait3A_132 : memref<1x1x128xi32, #tpu.memory_space<vmem>> -> memref<128xi32, #tpu.memory_space<vmem>>
        %dma_wait3A_134 = arith.constant 0 : i32
        %dma_wait3A_135 = tpu.memref_slice %arg3[%dma_wait3A_134] : memref<640000xi32, #tpu.memory_space<hbm>> -> memref<128xi32, #tpu.memory_space<hbm>>
        tpu.wait_dma2 semaphore(%arg14 : memref<!tpu.dma_semaphore, #tpu.memory_space<semaphore_mem>>) src(%dma_wait3A_135 : memref<128xi32, #tpu.memory_space<hbm>>) dst(%dma_wait3A_133 : memref<128xi32, #tpu.memory_space<vmem>>)
        %dma_start3A = arith.constant 0 : i32
        %dma_start3A_136 = arith.constant 0 : i32
        %dma_start3A_137 = arith.constant 0 : i32
        %dma_start3A_138 = arith.constant 0 : i32
        %dma_start3A_139 = tpu.memref_slice %arg8[%dma_start3A_136, %dma_start3A_137, %dma_start3A_138] : memref<2x128x128xf32, #tpu.memory_space<vmem>> -> memref<1x128x128xf32, #tpu.memory_space<vmem>>
        %dma_start3A_140 = tpu.memref_squeeze %dma_start3A_139 : memref<1x128x128xf32, #tpu.memory_space<vmem>> -> memref<128x128xf32, #tpu.memory_space<vmem>>
        %dma_start3A_141 = arith.constant 0 : i32
        %dma_start3A_142 = tpu.memref_slice %arg6[%dma_start3A, %dma_start3A_141] : memref<2x128xi32, #tpu.memory_space<vmem>> -> memref<1x128xi32, #tpu.memory_space<vmem>>
        %dma_start3A_143 = tpu.memref_squeeze %dma_start3A_142 : memref<1x128xi32, #tpu.memory_space<vmem>> -> memref<128xi32, #tpu.memory_space<vmem>>
        %dma_start3A_144 = arith.constant 0 : i32
        %dma_start3A_145 = arith.constant 0 : i32
        %dma_start3A_146 = tpu.memref_slice %arg2[%dma_start3A_144, %dma_start3A_145] : memref<10240x128xf32, #tpu.memory_space<hbm>> -> memref<10240x128xf32, #tpu.memory_space<hbm>>
        tpu.enqueue_indirect_dma source(%dma_start3A_146 : memref<10240x128xf32, #tpu.memory_space<hbm>>) target(%dma_start3A_140 : memref<128x128xf32, #tpu.memory_space<vmem>>) offsets(%dma_start3A_143 : memref<128xi32, #tpu.memory_space<vmem>>) semaphore(%arg10 : memref<!tpu.dma_semaphore, #tpu.memory_space<semaphore_mem>>)
      } else {
      }
      %mul3A_92 = arith.constant 32 : i32
      %mul3A_93 = arith.muli %mul3A_92, %add3A_79 : i32
      %add3A_94 = arith.addi %add3A, %mul3A_93 : i32
      %mul3A_95 = arith.constant 128 : i32
      %mul3A_96 = arith.muli %add3A_94, %mul3A_95 : i32
      %lt3A_97 = arith.constant 320000 : i32
      %lt3A_98 = arith.cmpi slt, %mul3A_96, %lt3A_97 : i32
      %convert_element_type3A_99 = arith.extui %lt3A_98 : i1 to i32
      %cond3A_100 = arith.constant 0 : i32
      %cond3A_101 = arith.cmpi ne, %convert_element_type3A_99, %cond3A_100 : i32
      scf.if %cond3A_101 {
        %dma_wait3A = arith.constant 1 : i32
        %dma_wait3A_114 = arith.constant 1 : i32
        %dma_wait3A_115 = arith.constant 0 : i32
        %dma_wait3A_116 = arith.constant 0 : i32
        %dma_wait3A_117 = tpu.memref_slice %arg8[%dma_wait3A_114, %dma_wait3A_115, %dma_wait3A_116] : memref<2x128x128xf32, #tpu.memory_space<vmem>> -> memref<1x128x128xf32, #tpu.memory_space<vmem>>
        %dma_wait3A_118 = tpu.memref_squeeze %dma_wait3A_117 : memref<1x128x128xf32, #tpu.memory_space<vmem>> -> memref<128x128xf32, #tpu.memory_space<vmem>>
        %dma_wait3A_119 = arith.constant 0 : i32
        %dma_wait3A_120 = tpu.memref_slice %arg6[%dma_wait3A, %dma_wait3A_119] : memref<2x128xi32, #tpu.memory_space<vmem>> -> memref<1x128xi32, #tpu.memory_space<vmem>>
        %dma_wait3A_121 = tpu.memref_squeeze %dma_wait3A_120 : memref<1x128xi32, #tpu.memory_space<vmem>> -> memref<128xi32, #tpu.memory_space<vmem>>
        %dma_wait3A_122 = arith.constant 0 : i32
        %dma_wait3A_123 = arith.constant 0 : i32
        %dma_wait3A_124 = tpu.memref_slice %arg2[%dma_wait3A_122, %dma_wait3A_123] : memref<10240x128xf32, #tpu.memory_space<hbm>> -> memref<10240x128xf32, #tpu.memory_space<hbm>>
        tpu.wait_indirect_dma semaphore(%arg11 : memref<!tpu.dma_semaphore, #tpu.memory_space<semaphore_mem>>) src(%dma_wait3A_124 : memref<10240x128xf32, #tpu.memory_space<hbm>>) dst(%dma_wait3A_118 : memref<128x128xf32, #tpu.memory_space<vmem>>)
        %run_scoped3A = arith.constant 1 : i32
        %run_scoped3A_125 = arith.constant 1 : i32
        %run_scoped3A_126 = arith.constant 0 : i32
        "tpu.region"() ({
          %run_scoped3A_127 = tpu.sem_alloc : memref<!tpu.dma_semaphore, #tpu.memory_space<semaphore_mem>>
          %dma_start3A = arith.constant 0 : i32
          %dma_start3A_128 = arith.constant 0 : i32
          %dma_start3A_129 = tpu.memref_slice %arg8[%run_scoped3A, %dma_start3A, %dma_start3A_128] : memref<2x128x128xf32, #tpu.memory_space<vmem>> -> memref<1x128x128xf32, #tpu.memory_space<vmem>>
          %dma_start3A_130 = tpu.memref_squeeze %dma_start3A_129 : memref<1x128x128xf32, #tpu.memory_space<vmem>> -> memref<128x128xf32, #tpu.memory_space<vmem>>
          %dma_start3A_131 = arith.constant 0 : i32
          %dma_start3A_132 = tpu.memref_slice %arg7[%run_scoped3A_125, %run_scoped3A_126, %dma_start3A_131] : memref<2x1x128xi32, #tpu.memory_space<vmem>> -> memref<1x1x128xi32, #tpu.memory_space<vmem>>
          %dma_start3A_133 = tpu.memref_squeeze %dma_start3A_132 : memref<1x1x128xi32, #tpu.memory_space<vmem>> -> memref<128xi32, #tpu.memory_space<vmem>>
          %dma_start3A_134 = arith.constant 0 : i32
          %dma_start3A_135 = arith.constant 0 : i32
          %dma_start3A_136 = tpu.memref_slice %arg9[%dma_start3A_134, %dma_start3A_135] : memref<10240x128xf32, #tpu.memory_space<vmem_shared>> -> memref<10240x128xf32, #tpu.memory_space<vmem_shared>>
          tpu.enqueue_indirect_dma source(%dma_start3A_130 : memref<128x128xf32, #tpu.memory_space<vmem>>) target(%dma_start3A_136 : memref<10240x128xf32, #tpu.memory_space<vmem_shared>>) offsets(%dma_start3A_133 : memref<128xi32, #tpu.memory_space<vmem>>) semaphore(%run_scoped3A_127 : memref<!tpu.dma_semaphore, #tpu.memory_space<semaphore_mem>>) {add = true}
          %dma_wait3A_137 = arith.constant 0 : i32
          %dma_wait3A_138 = arith.constant 0 : i32
          %dma_wait3A_139 = tpu.memref_slice %arg8[%run_scoped3A, %dma_wait3A_137, %dma_wait3A_138] : memref<2x128x128xf32, #tpu.memory_space<vmem>> -> memref<1x128x128xf32, #tpu.memory_space<vmem>>
          %dma_wait3A_140 = tpu.memref_squeeze %dma_wait3A_139 : memref<1x128x128xf32, #tpu.memory_space<vmem>> -> memref<128x128xf32, #tpu.memory_space<vmem>>
          %dma_wait3A_141 = arith.constant 0 : i32
          %dma_wait3A_142 = tpu.memref_slice %arg7[%run_scoped3A_125, %run_scoped3A_126, %dma_wait3A_141] : memref<2x1x128xi32, #tpu.memory_space<vmem>> -> memref<1x1x128xi32, #tpu.memory_space<vmem>>
          %dma_wait3A_143 = tpu.memref_squeeze %dma_wait3A_142 : memref<1x1x128xi32, #tpu.memory_space<vmem>> -> memref<128xi32, #tpu.memory_space<vmem>>
          %dma_wait3A_144 = arith.constant 0 : i32
          %dma_wait3A_145 = arith.constant 0 : i32
          %dma_wait3A_146 = tpu.memref_slice %arg9[%dma_wait3A_144, %dma_wait3A_145] : memref<10240x128xf32, #tpu.memory_space<vmem_shared>> -> memref<10240x128xf32, #tpu.memory_space<vmem_shared>>
          tpu.wait_indirect_dma semaphore(%run_scoped3A_127 : memref<!tpu.dma_semaphore, #tpu.memory_space<semaphore_mem>>) src(%dma_wait3A_140 : memref<128x128xf32, #tpu.memory_space<vmem>>) dst(%dma_wait3A_146 : memref<10240x128xf32, #tpu.memory_space<vmem_shared>>)
          tpu.yield
        }) : () -> ()
      } else {
      }
      %add3A_102 = arith.constant 2 : i32
      %add3A_103 = arith.addi %add3A_79, %add3A_102 : i32
      %mul3A_104 = arith.constant 32 : i32
      %mul3A_105 = arith.muli %mul3A_104, %add3A_103 : i32
      %add3A_106 = arith.addi %add3A, %mul3A_105 : i32
      %mul3A_107 = arith.constant 128 : i32
      %mul3A_108 = arith.muli %add3A_106, %mul3A_107 : i32
      %lt3A_109 = arith.constant 320000 : i32
      %lt3A_110 = arith.cmpi slt, %mul3A_108, %lt3A_109 : i32
      %convert_element_type3A_111 = arith.extui %lt3A_110 : i1 to i32
      %cond3A_112 = arith.constant 0 : i32
      %cond3A_113 = arith.cmpi ne, %convert_element_type3A_111, %cond3A_112 : i32
      scf.if %cond3A_113 {
        %dma_start3A = arith.constant 1 : i32
        %dma_start3A_114 = arith.constant 0 : i32
        %dma_start3A_115 = tpu.memref_slice %arg6[%dma_start3A, %dma_start3A_114] : memref<2x128xi32, #tpu.memory_space<vmem>> -> memref<1x128xi32, #tpu.memory_space<vmem>>
        %dma_start3A_116 = tpu.memref_squeeze %dma_start3A_115 : memref<1x128xi32, #tpu.memory_space<vmem>> -> memref<128xi32, #tpu.memory_space<vmem>>
        %dma_start3A_117 = tpu.memref_slice %arg3[%mul3A_108] : memref<640000xi32, #tpu.memory_space<hbm>> -> memref<128xi32, #tpu.memory_space<hbm>>
        %dma_start3A_118 = arith.constant 0 : i32
        %dma_start3A_119 = tpu.memref_slice %arg6[%dma_start3A, %dma_start3A_118] : memref<2x128xi32, #tpu.memory_space<vmem>> -> memref<1x128xi32, #tpu.memory_space<vmem>>
        %dma_start3A_120 = tpu.memref_squeeze %dma_start3A_119 : memref<1x128xi32, #tpu.memory_space<vmem>> -> memref<128xi32, #tpu.memory_space<vmem>>
        %dma_start3A_121 = tpu.memref_slice %arg3[%mul3A_108] : memref<640000xi32, #tpu.memory_space<hbm>> -> memref<128xi32, #tpu.memory_space<hbm>>
        tpu.enqueue_dma source(%dma_start3A_121 : memref<128xi32, #tpu.memory_space<hbm>>) target(%dma_start3A_120 : memref<128xi32, #tpu.memory_space<vmem>>) target_semaphore(%arg13 : memref<!tpu.dma_semaphore, #tpu.memory_space<semaphore_mem>>)
        %add3A_122 = arith.constant 320000 : i32
        %add3A_123 = arith.addi %add3A_122, %mul3A_108 : i32
        %add3A_124 = arith.constant 0 : i32
        %add3A_125 = arith.addi %add3A_123, %add3A_124 : i32
        %dma_start3A_126 = arith.constant 1 : i32
        %dma_start3A_127 = arith.constant 0 : i32
        %dma_start3A_128 = arith.constant 0 : i32
        %dma_start3A_129 = tpu.memref_slice %arg7[%dma_start3A_126, %dma_start3A_127, %dma_start3A_128] : memref<2x1x128xi32, #tpu.memory_space<vmem>> -> memref<1x1x128xi32, #tpu.memory_space<vmem>>
        %dma_start3A_130 = tpu.memref_squeeze %dma_start3A_129 : memref<1x1x128xi32, #tpu.memory_space<vmem>> -> memref<128xi32, #tpu.memory_space<vmem>>
        %dma_start3A_131 = tpu.memref_slice %arg3[%add3A_125] : memref<640000xi32, #tpu.memory_space<hbm>> -> memref<128xi32, #tpu.memory_space<hbm>>
        %dma_start3A_132 = arith.constant 0 : i32
        %dma_start3A_133 = tpu.memref_slice %arg7[%dma_start3A_126, %dma_start3A_127, %dma_start3A_132] : memref<2x1x128xi32, #tpu.memory_space<vmem>> -> memref<1x1x128xi32, #tpu.memory_space<vmem>>
        %dma_start3A_134 = tpu.memref_squeeze %dma_start3A_133 : memref<1x1x128xi32, #tpu.memory_space<vmem>> -> memref<128xi32, #tpu.memory_space<vmem>>
        %dma_start3A_135 = tpu.memref_slice %arg3[%add3A_125] : memref<640000xi32, #tpu.memory_space<hbm>> -> memref<128xi32, #tpu.memory_space<hbm>>
        tpu.enqueue_dma source(%dma_start3A_135 : memref<128xi32, #tpu.memory_space<hbm>>) target(%dma_start3A_134 : memref<128xi32, #tpu.memory_space<vmem>>) target_semaphore(%arg15 : memref<!tpu.dma_semaphore, #tpu.memory_space<semaphore_mem>>)
      } else {
      }
    }
    %scan3A_31 = arith.constant 40 : i32
    %barrier3A_32 = arith.constant 0 : index
    tpu.barrier barrier_id(%barrier3A_32)
    %mul3A_33 = arith.constant 640 : i32
    %mul3A_34 = arith.muli %arg1, %mul3A_33 : i32
    %mul3A_35 = arith.constant 640 : i32
    %mul3A_36 = arith.muli %arg1, %mul3A_35 : i32
    "tpu.region"() ({
      %run_scoped3A = tpu.sem_alloc : memref<!tpu.dma_semaphore, #tpu.memory_space<semaphore_mem>>
      %dma_start3A = arith.constant 0 : i32
      %dma_start3A_37 = tpu.memref_slice %arg5[%arg0, %mul3A_36, %dma_start3A] : memref<2x10240x128xf32, #tpu.memory_space<hbm>> -> memref<1x640x128xf32, #tpu.memory_space<hbm>>
      %dma_start3A_38 = tpu.memref_squeeze %dma_start3A_37 : memref<1x640x128xf32, #tpu.memory_space<hbm>> -> memref<640x128xf32, #tpu.memory_space<hbm>>
      %dma_start3A_39 = arith.constant 0 : i32
      %dma_start3A_40 = tpu.memref_slice %arg9[%mul3A_34, %dma_start3A_39] : memref<10240x128xf32, #tpu.memory_space<vmem_shared>> -> memref<640x128xf32, #tpu.memory_space<vmem_shared>>
      tpu.enqueue_dma source(%dma_start3A_40 : memref<640x128xf32, #tpu.memory_space<vmem_shared>>) target(%dma_start3A_38 : memref<640x128xf32, #tpu.memory_space<hbm>>) target_semaphore(%run_scoped3A : memref<!tpu.dma_semaphore, #tpu.memory_space<semaphore_mem>>)
      %dma_wait3A = arith.constant 0 : i32
      %dma_wait3A_41 = tpu.memref_slice %arg5[%arg0, %mul3A_36, %dma_wait3A] : memref<2x10240x128xf32, #tpu.memory_space<hbm>> -> memref<1x640x128xf32, #tpu.memory_space<hbm>>
      %dma_wait3A_42 = tpu.memref_squeeze %dma_wait3A_41 : memref<1x640x128xf32, #tpu.memory_space<hbm>> -> memref<640x128xf32, #tpu.memory_space<hbm>>
      %dma_wait3A_43 = arith.constant 0 : i32
      %dma_wait3A_44 = tpu.memref_slice %arg9[%mul3A_34, %dma_wait3A_43] : memref<10240x128xf32, #tpu.memory_space<vmem_shared>> -> memref<640x128xf32, #tpu.memory_space<vmem_shared>>
      tpu.wait_dma2 semaphore(%run_scoped3A : memref<!tpu.dma_semaphore, #tpu.memory_space<semaphore_mem>>) src(%dma_wait3A_44 : memref<640x128xf32, #tpu.memory_space<vmem_shared>>) dst(%dma_wait3A_42 : memref<640x128xf32, #tpu.memory_space<hbm>>)
      tpu.yield
    }) : () -> ()
    return
  }
}

module attributes {stable_mosaic.version = 14 : i64} {
  func.func @_mm_body(%arg0: i32, %arg1: memref<2000x1xf32, #tpu.memory_space<vmem>>, %arg2: memref<2000x128xf32, #tpu.memory_space<vmem>>, %arg3: memref<128x128xf32, #tpu.memory_space<vmem>>, %arg4: memref<2000x128xf32, #tpu.memory_space<vmem>>) attributes {dimension_semantics = [#tpu.dimension_semantics<arbitrary>], iteration_bounds = array<i64: 5>, scalar_prefetch = 0 : i64, scratch_operands = 0 : i64, tpu.core_type = #tpu.core_type<tc>, window_params = [{transform_indices = @transform_0, window_bounds = array<i64: 2000, 1>}, {transform_indices = @transform_1, window_bounds = array<i64: 2000, 128>}, {pipeline_mode = #tpu.pipeline_mode<synchronous>, transform_indices = @transform_2, window_bounds = array<i64: 128, 128>}, {transform_indices = @transform_3, window_bounds = array<i64: 2000, 128>}]} {
    %get3A = arith.constant 0 : index
    %get3A_0 = arith.constant 0 : index
    %get3A_1 = vector.load %arg1[%get3A, %get3A_0] : memref<2000x1xf32, #tpu.memory_space<vmem>>, vector<2000x1xf32>
    %max3A = arith.constant 1.000000e+00 : f32
    %max3A_2 = vector.broadcast %max3A : f32 to vector<2000x1xf32>
    %max3A_3 = arith.maximumf %get3A_1, %max3A_2 : vector<2000x1xf32>
    %rsqrt3A = math.rsqrt %max3A_3 : vector<2000x1xf32>
    %get3A_4 = arith.constant 0 : index
    %get3A_5 = arith.constant 0 : index
    %get3A_6 = vector.load %arg2[%get3A_4, %get3A_5] : memref<2000x128xf32, #tpu.memory_space<vmem>>, vector<2000x128xf32>
    %mul3A = vector.broadcast %rsqrt3A : vector<2000x1xf32> to vector<2000x128xf32>
    %mul3A_7 = arith.mulf %get3A_6, %mul3A : vector<2000x128xf32>
    %get3A_8 = arith.constant 0 : index
    %get3A_9 = arith.constant 0 : index
    %get3A_10 = vector.load %arg3[%get3A_8, %get3A_9] : memref<128x128xf32, #tpu.memory_space<vmem>>, vector<128x128xf32>
    %dot_general3A = arith.constant dense<0.000000e+00> : vector<2000x128xf32>
    %dot_general3A_11 = tpu.matmul %mul3A_7, %get3A_10, %dot_general3A {dimension_numbers = #tpu.dot_dimension_numbers<[1], [0], [0], [1], [0, 0, 1, 1], [], []>, transpose_lhs_hint = false} : vector<2000x128xf32>, vector<128x128xf32>, vector<2000x128xf32> -> vector<2000x128xf32>
    %swap3A = arith.constant 0 : index
    %swap3A_12 = arith.constant 0 : index
    %swap3A_13 = vector.load %arg4[%swap3A, %swap3A_12] : memref<2000x128xf32, #tpu.memory_space<vmem>>, vector<2000x128xf32>
    tpu.vector_store %arg4[%swap3A, %swap3A_12], %dot_general3A_11 {strides = array<i32>} : memref<2000x128xf32, #tpu.memory_space<vmem>>, vector<2000x128xf32>,
    return
  }
  func.func @transform_0(%arg0: i32) -> (i32, i32) {
    %c0_i32 = arith.constant 0 : i32
    %c0_i32_0 = arith.constant 0 : i32
    return %arg0, %c0_i32 : i32, i32
  }
  func.func @transform_1(%arg0: i32) -> (i32, i32) {
    %c0_i32 = arith.constant 0 : i32
    %c0_i32_0 = arith.constant 0 : i32
    return %arg0, %c0_i32 : i32, i32
  }
  func.func @transform_2(%arg0: i32) -> (i32, i32) {
    %c0_i32 = arith.constant 0 : i32
    %c0_i32_0 = arith.constant 0 : i32
    %c0_i32_1 = arith.constant 0 : i32
    return %c0_i32, %c0_i32_0 : i32, i32
  }
  func.func @transform_3(%arg0: i32) -> (i32, i32) {
    %c0_i32 = arith.constant 0 : i32
    %c0_i32_0 = arith.constant 0 : i32
    return %arg0, %c0_i32 : i32, i32
  }
}

module attributes {stable_mosaic.version = 14 : i64} {
  func.func @_fin_body(%arg0: i32, %arg1: memref<2x2000x128xf32, #tpu.memory_space<vmem>>, %arg2: memref<2000x1xf32, #tpu.memory_space<vmem>>, %arg3: memref<1x128xf32, #tpu.memory_space<vmem>>, %arg4: memref<2000x128xf32, #tpu.memory_space<vmem>>, %arg5: memref<2000x128xf32, #tpu.memory_space<vmem>>) attributes {dimension_semantics = [#tpu.dimension_semantics<arbitrary>], iteration_bounds = array<i64: 5>, scalar_prefetch = 0 : i64, scratch_operands = 0 : i64, tpu.core_type = #tpu.core_type<tc>, window_params = [{transform_indices = @transform_0, window_bounds = array<i64: 2, 2000, 128>}, {transform_indices = @transform_1, window_bounds = array<i64: 2000, 1>}, {pipeline_mode = #tpu.pipeline_mode<synchronous>, transform_indices = @transform_2, window_bounds = array<i64: 1, 128>}, {transform_indices = @transform_3, window_bounds = array<i64: 2000, 128>}, {transform_indices = @transform_4, window_bounds = array<i64: 2000, 128>}]} {
    %get3A = arith.constant 0 : index
    %get3A_0 = arith.constant 0 : index
    %get3A_1 = arith.constant 0 : index
    %get3A_2 = vector.load %arg1[%get3A, %get3A_0, %get3A_1] : memref<2x2000x128xf32, #tpu.memory_space<vmem>>, vector<1x2000x128xf32>
    %get3A_3 = vector.shape_cast %get3A_2 : vector<1x2000x128xf32> to vector<2000x128xf32>
    %get3A_4 = arith.constant 1 : index
    %get3A_5 = arith.constant 0 : index
    %get3A_6 = arith.constant 0 : index
    %get3A_7 = vector.load %arg1[%get3A_4, %get3A_5, %get3A_6] : memref<2x2000x128xf32, #tpu.memory_space<vmem>>, vector<1x2000x128xf32>
    %get3A_8 = vector.shape_cast %get3A_7 : vector<1x2000x128xf32> to vector<2000x128xf32>
    %add3A = arith.addf %get3A_3, %get3A_8 : vector<2000x128xf32>
    %get3A_9 = arith.constant 0 : index
    %get3A_10 = arith.constant 0 : index
    %get3A_11 = vector.load %arg2[%get3A_9, %get3A_10] : memref<2000x1xf32, #tpu.memory_space<vmem>>, vector<2000x1xf32>
    %max3A = arith.constant 1.000000e+00 : f32
    %max3A_12 = vector.broadcast %max3A : f32 to vector<2000x1xf32>
    %max3A_13 = arith.maximumf %get3A_11, %max3A_12 : vector<2000x1xf32>
    %rsqrt3A = math.rsqrt %max3A_13 : vector<2000x1xf32>
    %mul3A = vector.broadcast %rsqrt3A : vector<2000x1xf32> to vector<2000x128xf32>
    %mul3A_14 = arith.mulf %add3A, %mul3A : vector<2000x128xf32>
    %get3A_15 = arith.constant 0 : index
    %get3A_16 = arith.constant 0 : index
    %get3A_17 = vector.load %arg3[%get3A_15, %get3A_16] : memref<1x128xf32, #tpu.memory_space<vmem>>, vector<1x128xf32>
    %add3A_18 = vector.broadcast %get3A_17 : vector<1x128xf32> to vector<2000x128xf32>
    %add3A_19 = arith.addf %mul3A_14, %add3A_18 : vector<2000x128xf32>
    %max3A_20 = arith.constant 0.000000e+00 : f32
    %max3A_21 = vector.broadcast %max3A_20 : f32 to vector<2000x128xf32>
    %max3A_22 = arith.maximumf %add3A_19, %max3A_21 : vector<2000x128xf32>
    %get3A_23 = arith.constant 0 : index
    %get3A_24 = arith.constant 0 : index
    %get3A_25 = vector.load %arg4[%get3A_23, %get3A_24] : memref<2000x128xf32, #tpu.memory_space<vmem>>, vector<2000x128xf32>
    %add3A_26 = arith.addf %max3A_22, %get3A_25 : vector<2000x128xf32>
    %swap3A = arith.constant 0 : index
    %swap3A_27 = arith.constant 0 : index
    %swap3A_28 = vector.load %arg5[%swap3A, %swap3A_27] : memref<2000x128xf32, #tpu.memory_space<vmem>>, vector<2000x128xf32>
    tpu.vector_store %arg5[%swap3A, %swap3A_27], %add3A_26 {strides = array<i32>} : memref<2000x128xf32, #tpu.memory_space<vmem>>, vector<2000x128xf32>,
    return
  }
  func.func @transform_0(%arg0: i32) -> (i32, i32, i32) {
    %c0_i32 = arith.constant 0 : i32
    %c0_i32_0 = arith.constant 0 : i32
    %c0_i32_1 = arith.constant 0 : i32
    return %c0_i32, %arg0, %c0_i32_0 : i32, i32, i32
  }
  func.func @transform_1(%arg0: i32) -> (i32, i32) {
    %c0_i32 = arith.constant 0 : i32
    %c0_i32_0 = arith.constant 0 : i32
    return %arg0, %c0_i32 : i32, i32
  }
  func.func @transform_2(%arg0: i32) -> (i32, i32) {
    %c0_i32 = arith.constant 0 : i32
    %c0_i32_0 = arith.constant 0 : i32
    %c0_i32_1 = arith.constant 0 : i32
    return %c0_i32, %c0_i32_0 : i32, i32
  }
  func.func @transform_3(%arg0: i32) -> (i32, i32) {
    %c0_i32 = arith.constant 0 : i32
    %c0_i32_0 = arith.constant 0 : i32
    return %arg0, %c0_i32 : i32, i32
  }
  func.func @transform_4(%arg0: i32) -> (i32, i32) {
    %c0_i32 = arith.constant 0 : i32
    %c0_i32_0 = arith.constant 0 : i32
    return %arg0, %c0_i32 : i32, i32
  }
}

</mosaic_0001>

<sc_bundles>
// kernel: kernel.6.cloned.1.call-start
scs
__scs_entry_jumppad:
0x0: {  	(pc) =	sbr.rel $0x88, $3  }
0x1: {  	(tag) =	ssettag $0x0;
	lr =	simm.s32 $0x1  }
0x2: {  	[smem:$0x3F9D] =	sst lr;
	_ =	strace $0xD0000000  }
0x3: {  	_ = 	snop  }
0x4: {  	_ = 	snop  }
0x5: {  	_ = 	snop  }
0x6: {  	_ = 	snop  }
0x7: {  	_ = 	snop  }
__scs_overlays_trampoline_lowered:
0x8: {  	[smem:$0x3FAC] =	sst s0  }
0x9: {  	[smem:$0x3FAD] =	sst s1  }
0xa: {  	[smem:$0x3FAE] =	sst s2  }
0xb: {  	[smem:$0x3FAF] =	sst s3  }
0xc: {  	[smem:$0x3FB0] =	sst s4  }
0xd: {  	[smem:$0x3FB1] =	sst s5  }
0xe: {  	[smem:$0x3FB2] =	sst s6  }
0xf: {  	[smem:$0x3FB3] =	sst s7  }
0x10: {  	[smem:$0x3FB4] =	sst s8  }
0x11: {  	[smem:$0x3FB5] =	sst s9;
	s0 =	simm.s32 @!p0 $0x0  }
0x12: {  	s1 =	sld [smem:$0x3F9B];
	s0 =	simm.s32 @p0 $0x1  }
0x13: {  	[smem:$0x3FB6] =	sst s0;
	s0 =	simm.s32 @!p1 $0x0  }
0x14: {  	s2 =	sld [smem:$0x3F9A];
	s0 =	simm.s32 @p1 $0x1  }
0x15: {  	[smem:$0x3FB7] =	sst s0;
	s0 =	simm.s32 @!p2 $0x0  }
0x16: {  	s3 =	sld [smem:$0x3FDB];
	s0 =	simm.s32 @p2 $0x1  }
0x17: {  	s4 =	simm.s32 $0x1BF5;
	[smem:$0x3FB9] =	sst s0  }
0x18: {  	s0 =	sld [smem:$0x3F9C];
	_ =	swait.ge [sflag:s4], $0x0  }
0x19: {  	s7 =	sld [smem:$0x3F9D]  }
0x1a: {  	s8 =	sadd.s32 $0xFFFFE003, lr  }
0x1b: {  	s9 =	sadd.s32 $0xFFFFFEF7, lr;
	s5 =	simm.s32 $0xFFFFFFFF;
	p2 =	slt.u32 s8, $0xFFFFF086  }
0x1c: {  	p1 =	slt.u32 s9, $0xF7A;
	s5 =	simm.s32 @!p2 $0x0  }
0x1d: {  	s5 =	simm.s32 @p1 $0x1;
	p0 =	seq.s32 s7, s2  }
0x1e: {  	s7 =	smul.u32 @!p0 $0xF7A, s2;
	p2 =	seq.s32 @!p0 s5, $0x0  }
0x1f: {  	s9 =	smul.u32 $0xF7A, s1;
	s8 =	simm.s32 @!p0 $0x1BF5;
	p2 =	por !p2, p0  }
0x20: {  	[sflag:s8] =	ssyncset.s32 @!p0 $0xFFFFF086;
	s6 =	sadd.s32 @!p0 s3, s7;
	s7 =	simm.s32 @!p0 $0x108  }
0x21: {  	s3 =	sadd.s32 s3, s9;
	s6 =	sadd.s32 @!p0 $0x88, s6;
	s7 =	simm.s32 @p2 $0x1082  }
0x22: {  	[simem:s7], [sflag:s8] =	dma.local @!p0 [hbm:s6], $0xF7A  }
0x23: {  	s9 =	sor.u32 $0xD0000000, s2;
	s6 =	simm.s32 $0x108;
	_ =	swait.ge @!p0 [sflag:s8], $0x0  }
0x24: {  	s3 =	sadd.s32 $0x88, s3;
	s6 =	simm.s32 @!p1 $0x1082;
	[sflag:s4] =	ssyncset.s32 $0xFFFFF086  }
0x25: {  	[simem:s6], [sflag:s4] =	dma.local [hbm:s3], $0xF7A  }
0x26: {  	[smem:$0x3F9D] =	sst s1;
	(tag) =	ssettag s2;
	_ =	strace s9  }
0x27: {  	s1 =	sld [smem:$0x3FAD]  }
0x28: {  	s2 =	sld [smem:$0x3FAE]  }
0x29: {  	s4 =	sld [smem:$0x3FB0]  }
0x2a: {  	p0 =	seq.s32 s5, $0x0;
	s5 =	sld [smem:$0x3FB1]  }
0x2b: {  	s6 =	sld [smem:$0x3FB2]  }
0x2c: {  	s7 =	sld [smem:$0x3FB3]  }
0x2d: {  	s3 =	simm.s32 $0x108;
	s8 =	sld [smem:$0x3FB4]  }
0x2e: {  	s3 =	simm.s32 @!p0 $0x1082;
	s9 =	sld [smem:$0x3FB5]  }
0x2f: {  	lr =	sadd.s32 s0, s3;
	s0 =	sld [smem:$0x3FAC]  }
0x30: {  	s3 =	sld [smem:$0x3FAF]  }
0x31: {  	[smem:$0x3FB8] =	sst s10  }
0x32: {  	s10 =	sld [smem:$0x3FB6];
	_ =	sdelay $0x3  }
0x33: {  	p0 =	seq.s32 s10, $0x1;
	s10 =	sld [smem:$0x3FB8];
	_ =	sdelay $0x3  }
0x34: {  	[smem:$0x3FB8] =	sst s10  }
0x35: {  	s10 =	sld [smem:$0x3FB7];
	_ =	sdelay $0x3  }
0x36: {  	p1 =	seq.s32 s10, $0x1;
	s10 =	sld [smem:$0x3FB8];
	_ =	sdelay $0x3  }
0x37: {  	[smem:$0x3FB8] =	sst s10  }
0x38: {  	s10 =	sld [smem:$0x3FB9]  }
0x39: {  	_ = 	snop;
	(pc) =	sbr.ind lr, $3  }
0x3a: {  	_ = 	snop  }
0x3b: {  	_ = 	snop  }
0x3c: {  	p2 =	seq.s32 s10, $0x1;
	s10 =	sld [smem:$0x3FB8]  }
0x3d: {  	_ =	shalt  }
0x3e: {  	_ =	shalt  }
0x3f: {  	_ =	shalt  }
0x40: {  	_ =	shalt  }
0x41: {  	_ =	shalt  }
0x42: {  	_ =	shalt  }
0x43: {  	_ =	shalt  }
0x44: {  	_ =	shalt  }
0x45: {  	_ =	shalt  }
0x46: {  	_ =	shalt  }
0x47: {  	_ =	shalt  }
0x48: {  	_ =	shalt  }
0x49: {  	_ =	shalt  }
0x4a: {  	_ =	shalt  }
0x4b: {  	_ =	shalt  }
0x4c: {  	_ =	shalt  }
0x4d: {  	_ =	shalt  }
0x4e: {  	_ =	shalt  }
0x4f: {  	_ =	shalt  }
0x50: {  	_ =	shalt  }
0x51: {  	_ =	shalt  }
0x52: {  	_ =	shalt  }
0x53: {  	_ =	shalt  }
0x54: {  	_ =	shalt  }
0x55: {  	_ =	shalt  }
0x56: {  	_ =	shalt  }
0x57: {  	_ =	shalt  }
0x58: {  	_ =	shalt  }
0x59: {  	_ =	shalt  }
0x5a: {  	_ =	shalt  }
0x5b: {  	_ =	shalt  }
0x5c: {  	_ =	shalt  }
0x5d: {  	_ =	shalt  }
0x5e: {  	_ =	shalt  }
0x5f: {  	_ =	shalt  }
0x60: {  	_ =	shalt  }
0x61: {  	_ =	shalt  }
0x62: {  	_ =	shalt  }
0x63: {  	_ =	shalt  }
0x64: {  	_ =	shalt  }
0x65: {  	_ =	shalt  }
0x66: {  	_ =	shalt  }
0x67: {  	_ =	shalt  }
0x68: {  	_ =	shalt  }
0x69: {  	_ =	shalt  }
0x6a: {  	_ =	shalt  }
0x6b: {  	_ =	shalt  }
0x6c: {  	_ =	shalt  }
0x6d: {  	_ =	shalt  }
0x6e: {  	_ =	shalt  }
0x6f: {  	_ =	shalt  }
0x70: {  	_ =	shalt  }
0x71: {  	_ =	shalt  }
0x72: {  	_ =	shalt  }
0x73: {  	_ =	shalt  }
0x74: {  	_ =	shalt  }
0x75: {  	_ =	shalt  }
0x76: {  	_ =	shalt  }
0x77: {  	_ =	shalt  }
0x78: {  	_ =	shalt  }
0x79: {  	_ =	shalt  }
0x7a: {  	_ =	shalt  }
0x7b: {  	_ =	shalt  }
0x7c: {  	_ =	shalt  }
0x7d: {  	_ =	shalt  }
0x7e: {  	_ =	shalt  }
0x7f: {  	_ =	shalt  }
0x80: {  	_ =	shalt  }
0x81: {  	_ =	shalt  }
0x82: {  	_ =	shalt  }
0x83: {  	_ =	shalt  }
0x84: {  	_ =	shalt  }
0x85: {  	_ =	shalt  }
0x86: {  	_ =	shalt  }
0x87: {  	_ =	shalt  }
.Lfunc_end0:
.L_simem_size_0:
called_computation_lowered:
.L_overlay_start_0:
0x88: {  	s2 =	sld [smem:$0x3FD9]  }
0x89: {  	s3 =	sld [smem:$0x3FFE];
	_ =	sdelay $0x1  }
0x8a: {  	s1 =	srdreg.scid  }
0x8b: {  	s0 =	sand.u32 $0x1, s1  }
0x8c: {  	s17 =	sshll.u32 s0, $0xA;
	s2 =	sadd.s32 s3, s2  }
0x8d: {  	s2 =	sadd.s32 s2, s17  }
0x8e: {  	[smem:$0x3FC4] =	sst s2  }
0x8f: {  	_ = 	snop  }
0x90: {  	s2 =	sld [smem:$0x3FD0];
	(tm) =	ssettm $0x1  }
0x91: {  	s18 =	sld [smem:$0x3FFB];
	_ =	sdelay $0x3  }
0x92: {  	_ =	strace s18  }
0x93: {  	s3 =	sld [smem:$0x3FFC];
	_ =	sdelay $0x3  }
0x94: {  	_ =	strace s3  }
0x95: {  	s3 =	sld [smem:$0x3FFD];
	_ =	sdelay $0x3  }
0x96: {  	_ =	strace s3  }
0x97: {  	_ =	strace $0x8FFFFFFF  }
0x98: {  	s19 =	sld [smem:$0x3FDB];
	_ =	sdelay $0x1  }
0x99: {  	s4 =	simm.s32 $_scs_section_size  }
0x9a: {  	s5 =	simm.s32 $_size__tile_overlayer_lowered;
	s6 =	simm.s32 $_tile_overlayer_lowered  }
0x9b: {  	s22 =	simm.s32 $0x1BFF;
	s21 =	sshll.u32 s6, $0x1;
	s3 =	sadd.s32 s4, s19  }
0x9c: {  	s7 =	simm.s32 $0x0;
	s20 =	sshll.u32 s5, $0x1;
	s5 =	sadd.s32 s21, s3  }
0x9d: {  	[timem:s7], [sflag:s22] =	dma.local [hbm:s5], s20  }
0x9e: {  	_ =	swait.ge [sflag:s22], s20  }
0x9f: {  	s4 =	ssub.s32 $0x0, s20;
	[sflag:s22] =	ssyncset.done $0x0  }
0xa0: {  	[sflag:s22] =	ssyncadd.s32 s4;
	_ =	sdelay $0x1  }
0xa1: {  	s23 =	simm.s32 $0x1B8B  }
0xa2: {  	_ =	swait.ge [sflag:s23], $0x1  }
0xa3: {  	[sflag:s23] =	ssyncset.done $0x0  }
0xa4: {  	s25 =	simm.s32 $0x1B8E;
	s24 =	sld [smem:$0x3FFE];
	[sflag:s23] =	ssyncadd.s32 $0xFFFFFFFF  }
0xa5: {  	s26 =	simm.s32 $execute0_lowered;
	[smem:$0x3FD2] =	sst s25  }
0xa6: {  	s5 =	sshll.u32 s26, $0x1;
	_ =	strace $0x80000046;
	[dreg:$0x1] =	wrdreg $0xFFFFFFFF  }
0xa7: {  	s28 =	simm.s32 $_size_execute0_lowered;
	s3 =	sadd.s32 s3, s5;
	[dreg:$0x0] =	wrdreg $0x0  }
0xa8: {  	s5 =	sshll.u32 s28, $0x1;
	[dreg:$0x2] =	wrdreg s3  }
0xa9: {  	[dreg:$0x3] =	wrdreg s5  }
0xaa: {  	[dreg:$0x4] =	wrdreg $0xC0  }
0xab: {  	_ =	task [dreg:s7], $0x5FFFF  }
0xac: {  	[dreg:$0x1] =	wrdreg $0xFFFFFFFF  }
0xad: {  	[dreg:$0x0] =	wrdreg $0x60  }
0xae: {  	[dreg:$0x2] =	wrdreg s2  }
0xaf: {  	[dreg:$0x3] =	wrdreg s24  }
0xb0: {  	[dreg:$0x4] =	wrdreg $0xC9800  }
0xb1: {  	[dreg:$0x5] =	wrdreg $0xF1800  }
0xb2: {  	[dreg:$0x6] =	wrdreg $0x9  }
0xb3: {  	_ =	task.clear_ibuf [dreg:s7], $0x7FFFF;
	_ =	strace $0x90000046  }
0xb4: {  	s29 =	simm.s32 $0x9;
	_ =	strace $0x80000048  }
0xb5: {  	_ =	swait.ge [sflag:s29], $0x1  }
0xb6: {  	[sflag:s29] =	ssyncadd.s32 $0xFFFFFFFF  }
0xb7: {  	_ =	strace $0x90000048  }
0xb8: {  	_ =	sfence  }
0xb9: {  	s30 =	sld [smem:$0x0];
	_ =	sdelay $0x2  }
0xba: {  	s31 =	sshll.u32 s1, $0xD;
	s1 =	sshrl.u32 s1, $0x2  }
0xbb: {  	s3 =	sand.u32 $0x4000, s31;
	s1 =	sadd.s32 s1, s30  }
0xbc: {  	s0 =	sor.u32 s3, s0;
	s1 =	sshll.u32 s1, $0x11  }
0xbd: {  	s0 =	sor.u32 s1, s0  }
0xbe: {  	s0 =	sadd.s32 $0x8F2B, s0  }
0xbf: {  	[sflag:s0] =	ssyncadd.remote.s32 $0x1  }
0xc0: {  	_ =	sfence.sel $0xFFFF  }
0xc1: {  	[dreg:$0x0] =	wrdreg $0xFFFFFFFF;
	(pc) =	sbr.abs _section_cstart, $3  }
0xc2: {  	[dreg:$0x1] =	wrdreg $0xFFFFFFFF  }
0xc3: {  	_ =	task.clear_ibuf [dreg:s7], $0x2FFFF;
	_ =	strace $0x9FFFFFFF  }
0xc4: {  	(tm) =	ssettm $0x7FFFFFFF  }
0xc5: {  	_ =	shalt  }
tec
execute0_lowered:
.L_overlay_start_1:
0x0: {  	(tag) =	ssettag $0x1  }
0x1: {  	s4 =	rddreg [dreg:$0x0]  }
0x2: {  	s5 =	rddreg [dreg:$0x1]  }
0x3: {  	s8 =	rddreg [dreg:$0x2]  }
0x4: {  	s10 =	rddreg [dreg:$0x3]  }
0x5: {  	s0 =	rddreg [dreg:$0x4]  }
0x6: {  	s3 =	srdreg.scid;
	s1 =	stileid.u32;
	s2 =	simm.s32 $0x0  }
0x7: {  	s14 =	simm.s32 $0x2780;
	s15 =	simm.s32 $0x4F00;
	s16 =	simm.s32 $0x7700  }
0x8: {  	s17 =	simm.s32 $0x80;
	s18 =	simm.s32 $0x400;
	s19 =	simm.s32 $0x1400  }
0x9: {  	s20 =	simm.s32 $0x14000;
	s21 =	simm.s32 $0x9F00;
	s22 =	simm.s32 $0xC700  }
0xa: {  	s23 =	simm.s32 $0x0;
	s6 =	sand.u32 $0x1, s3;
	s7 =	smul.u32 $0x280, s1  }
0xb: {  	[smem:$0x7FF] =	sst s2;
	s11 =	sshll.u32 s1, $0x1;
	s3 =	sadd.s32 $0x1A00, s5  }
0xc: {  	s29 =	sshrl.u32 s1, $0x3;
	s12 =	sshll.u32 s1, $0x7;
	s9 =	smul.u32 $0x5000, s6  }
0xd: {  	s31 =	smul.u32 $0x1400, s1;
	_ =	strace $0x80000047;
	s25 =	sor.u32 s6, s11  }
0xe: {  	s6 =	ssub.s32 $0x2, s6;
	s30 =	sand.u32 $0x380, s12;
	s7 =	sadd.s32 s7, s9  }
0xf: {  	s28 =	sshrl.u32 s6, $0x1;
	s9 =	smul.u32 $0x2710, s25;
	s7 =	sshrl.u32 s7, $0x3  }
0x10: {  	s13 =	ssub.s32 s6, s28;
	s26 =	sadd.s32 s7, s5;
	s7 =	smul.u32 $0x14000, s29  }
0x11: {  	s12 =	smax.u32 s13, $0x1;
	s13 =	simm.s32 $0x1;
	s9 =	sshrl.u32 s9, $0x3  }
0x12: {  	s4 =	sadd.s32 s4, s9;
	s9 =	sadd.s32 $0x2000, s26;
	s7 =	sor.u32 s30, s7  }
0x13: {  	s11 =	sadd.s32 $0x2500, s26;
	s5 =	sadd.s32 $0x9C40, s4;
	s6 =	sadd.s32 s7, s8  }
0x14: {  	v0 =	vimm.f32 $1.000000000e+00;
	s7 =	sadd.s32 s7, s10;
	s8 =	sadd.s32 s31, s8;
	s10 =	sadd.s32 s31, s10  }
.LBB2_1:
0x15: {  	[tilespmem:s2], [sflag:$0x1] =	stream.linear.gather [hbm4b:s4+s2], $0x2710, $0x38;
	[tilespmem:$0x11980] =	vst v63  }
0x16: {  	_ =	swait.ge [sflag:s13], $0x2710  }
0x17: {  	[sflag:s13] =	ssyncset.done $0x0  }
0x18: {  	[sflag:s13] =	ssyncadd.s32 $0xFFFFD8F0  }
0x19: {  	[tilespmem:s14], [sflag:$0x1] =	stream.linear.gather [hbm4b:s5+s2], $0x2710, $0x38;
	[tilespmem:$0x11980] =	vst v63  }
0x1a: {  	_ =	swait.ge [sflag:s13], $0x2710  }
0x1b: {  	[sflag:s13] =	ssyncset.done $0x0  }
0x1c: {  	[sflag:s13] =	ssyncadd.s32 $0xFFFFD8F0  }
0x1d: {  	[tilespmem:s15], [sflag:$0x1] =	stream.linear.gather [hbm4b:s3+s2], $0x2800, $0x38;
	[tilespmem:$0x11980] =	vst v63  }
0x1e: {  	_ =	swait.ge [sflag:s13], $0x2800  }
0x1f: {  	[sflag:s13] =	ssyncset.done $0x0  }
0x20: {  	[sflag:s13] =	ssyncadd.s32 $0xFFFFD800  }
0x21: {  	[tilespmem:s16], [sflag:$0x1] =	stream.linear.gather [hbm4b:s3+s2], $0x2800, $0x38;
	[tilespmem:$0x11980] =	vst v63  }
0x22: {  	_ =	swait.ge [sflag:s13], $0x2800  }
0x23: {  	[sflag:s13] =	ssyncset.done $0x0  }
0x24: {  	s25 =	simm.s32 $0x0;
	s24 =	simm.s32 $0x40;
	[sflag:s13] =	ssyncadd.s32 $0xFFFFD800  }
.LBB2_2:
0x25: {  	p0 =	sne.s32 s24, $0x9C00;
	v1 =	vld [tilespmem:s25+$0x0];
	_ =	sdelay $0x7  }
0x26: {  	[tilespmem:v1+s15+$0x0] =	vst.idx.add.f32.msk $0xffff, v0  }
0x27: {  	v1 =	vld [tilespmem:s25+$0x2780];
	_ =	sdelay $0x3  }
.Ltmp0:
0x28: {  	(pc) =	sbr.rel @p0 .LBB2_2-.Ltmp0, $2  }
0x29: {  	_ =	sdelay $0x2  }
0x2a: {  	s25 =	sshra.s32 s24, $0x2;
	s24 =	sadd.s32 $0x40, s24;
	[tilespmem:v1+s16+$0x0] =	vst.idx.add.f32.msk $0xffff, v0  }
0x2b: {  	v1 =	vld [tilespmem:s25+$0x0];
	_ =	sdelay $0x7  }
0x2c: {  	[tilespmem:v1+s15+$0x0] =	vst.idx.add.f32.msk $0xffff, v0  }
0x2d: {  	v1 =	vld [tilespmem:s25+$0x2780];
	_ =	sdelay $0x7  }
0x2e: {  	[tilespmem:v1+s16+$0x0] =	vst.idx.add.f32.msk $0xffff, v0  }
0x2f: {  	[spmem:s6] =	stream.strided.scatter [tilespmem:s15], [sflag:$0x1], $0x2800, s18, s17, $0x38;
	[tilespmem:$0x11980] =	vst v63  }
0x30: {  	_ =	swait.ge [sflag:s13], $0x2800  }
0x31: {  	[sflag:s13] =	ssyncset.done $0x0  }
0x32: {  	[sflag:s13] =	ssyncadd.s32 $0xFFFFD800  }
0x33: {  	[spmem:s7] =	stream.strided.scatter [tilespmem:s16], [sflag:$0x1], $0x2800, s18, s17, $0x38;
	[tilespmem:$0x11980] =	vst v63  }
0x34: {  	_ =	swait.ge [sflag:s13], $0x2800  }
0x35: {  	[sflag:s13] =	ssyncset.done $0x0  }
0x36: {  	[sflag:s13] =	ssyncadd.s32 $0xFFFFD800  }
0x37: {  	[bflag:$0x0] =	sbarrier.arrive $0xFFFF  }
0x38: {  	[tilespmem:s21], [sflag:$0x1] =	stream.strided.gather [spmem:s8], $0x2800, s20, s19, $0x38;
	[tilespmem:$0x11980] =	vst v63  }
0x39: {  	s24 =	simm.s32 $0x0;
	_ =	swait.ge [sflag:s13], $0x2800  }
0x3a: {  	s30 =	sand.u32 $0x70, s24;
	s24 =	sand.u32 $0x1C00, s24;
	[sflag:s13] =	ssyncset.done $0x0  }
0x3b: {  	s24 =	sor.u32 s30, s24;
	[sflag:s13] =	ssyncadd.s32 $0xFFFFD800  }
0x3c: {  	v1 =	vld [tilespmem:s24+$0x9F80]  }
0x3d: {  	v2 =	vld [tilespmem:s24+$0x9F00];
	_ =	sdelay $0x1  }
0x3e: {  	v3 =	vld [tilespmem:s24+$0xA000];
	_ =	sdelay $0x1  }
0x3f: {  	v4 =	vld [tilespmem:s24+$0xA080]  }
0x40: {  	v1 =	vadd.f32 v1, v2  }
0x41: {  	v2 =	vld [tilespmem:s24+$0xA100]  }
0x42: {  	v1 =	vadd.f32 v3, v1  }
0x43: {  	v3 =	vld [tilespmem:s24+$0xA180]  }
0x44: {  	v1 =	vadd.f32 v4, v1  }
0x45: {  	v60 =	vld [tilespmem:s24+$0xA200]  }
0x46: {  	v1 =	vadd.f32 v2, v1  }
0x47: {  	v2 =	vld [tilespmem:s24+$0xA280]  }
0x48: {  	v1 =	vadd.f32 v3, v1  }
0x49: {  	v3 =	vld [tilespmem:s24+$0xB300]  }
0x4a: {  	v1 =	vadd.f32 v60, v1  }
0x4b: {  	v61 =	vld [tilespmem:s24+$0xB380]  }
0x4c: {  	v1 =	vadd.f32 v2, v1  }
0x4d: {  	v2 =	vld [tilespmem:s24+$0xB400]  }
0x4e: {  	v1 =	vadd.f32 v3, v1  }
0x4f: {  	v3 =	vld [tilespmem:s24+$0xB480]  }
0x50: {  	v1 =	vadd.f32 v61, v1  }
0x51: {  	v62 =	vld [tilespmem:s24+$0xB500]  }
0x52: {  	v1 =	vadd.f32 v2, v1  }
0x53: {  	v2 =	vld [tilespmem:s24+$0xB580]  }
0x54: {  	v1 =	vadd.f32 v3, v1  }
0x55: {  	v3 =	vld [tilespmem:s24+$0xB600]  }
0x56: {  	v1 =	vadd.f32 v62, v1  }
0x57: {  	v63 =	vld [tilespmem:s24+$0xB680]  }
0x58: {  	v1 =	vadd.f32 v2, v1;
	_ =	sdelay $0x1  }
0x59: {  	v1 =	vadd.f32 v3, v1;
	_ =	sdelay $0x1  }
0x5a: {  	s31 =	simm.s32 $0x10;
	s26 =	simm.s32 $0x80;
	v1 =	vadd.f32 v63, v1  }
0x5b: {  	s28 =	sand.u32 $0x1C00, s26;
	s25 =	sand.u32 $0x70, s31;
	s24 =	simm.s32 $0xC700  }
0x5c: {  	s25 =	sor.u32 s25, s28;
	s28 =	simm.s32 $0x20;
	[tilespmem:s24+$0x0] =	vst v1  }
.LBB2_4:
0x5d: {  	p0 =	sne.s32 s28, $0x270;
	v1 =	vld [tilespmem:s25+$0x9F80]  }
0x5e: {  	v2 =	vld [tilespmem:s25+$0x9F00];
	_ =	sdelay $0x1  }
0x5f: {  	v3 =	vld [tilespmem:s25+$0xA000];
	_ =	sdelay $0x1  }
0x60: {  	v4 =	vld [tilespmem:s25+$0xA080]  }
0x61: {  	v1 =	vadd.f32 v1, v2  }
0x62: {  	v2 =	vld [tilespmem:s25+$0xA100]  }
0x63: {  	v1 =	vadd.f32 v3, v1  }
0x64: {  	v3 =	vld [tilespmem:s25+$0xA180]  }
0x65: {  	v1 =	vadd.f32 v4, v1  }
0x66: {  	v4 =	vld [tilespmem:s25+$0xA200]  }
0x67: {  	v1 =	vadd.f32 v2, v1  }
0x68: {  	v2 =	vld [tilespmem:s25+$0xA280]  }
0x69: {  	v1 =	vadd.f32 v3, v1  }
0x6a: {  	v3 =	vld [tilespmem:s25+$0xB300]  }
0x6b: {  	v1 =	vadd.f32 v4, v1  }
0x6c: {  	v4 =	vld [tilespmem:s25+$0xB380]  }
0x6d: {  	v1 =	vadd.f32 v2, v1  }
0x6e: {  	v2 =	vld [tilespmem:s25+$0xB400]  }
0x6f: {  	v1 =	vadd.f32 v3, v1  }
0x70: {  	v3 =	vld [tilespmem:s25+$0xB480]  }
0x71: {  	v1 =	vadd.f32 v4, v1  }
0x72: {  	v4 =	vld [tilespmem:s25+$0xB500]  }
0x73: {  	v1 =	vadd.f32 v2, v1  }
0x74: {  	v2 =	vld [tilespmem:s25+$0xB580]  }
0x75: {  	v1 =	vadd.f32 v3, v1  }
0x76: {  	v3 =	vld [tilespmem:s25+$0xB600]  }
0x77: {  	v1 =	vadd.f32 v4, v1  }
0x78: {  	v4 =	vld [tilespmem:s25+$0xB680]  }
0x79: {  	v1 =	vadd.f32 v2, v1;
	_ =	sdelay $0x1  }
.Ltmp1:
0x7a: {  	v1 =	vadd.f32 v3, v1;
	(pc) =	sbr.rel @p0 .LBB2_4-.Ltmp1, $4  }
0x7b: {  	_ = 	snop  }
0x7c: {  	s26 =	sadd.s32 $0x80, s26;
	v1 =	vadd.f32 v4, v1  }
0x7d: {  	s24 =	sadd.s32 $0x10, s24;
	s29 =	sand.u32 $0x1C00, s26;
	s25 =	sand.u32 $0x70, s28  }
0x7e: {  	s28 =	sadd.s32 $0x10, s28;
	s25 =	sor.u32 s25, s29;
	[tilespmem:s24+$0x0] =	vst v1  }
0x7f: {  	v1 =	vld [tilespmem:s25+$0x9F80]  }
0x80: {  	v2 =	vld [tilespmem:s25+$0x9F00];
	_ =	sdelay $0x1  }
0x81: {  	v3 =	vld [tilespmem:s25+$0xA000];
	_ =	sdelay $0x1  }
0x82: {  	v4 =	vld [tilespmem:s25+$0xA080]  }
0x83: {  	v1 =	vadd.f32 v1, v2  }
0x84: {  	v2 =	vld [tilespmem:s25+$0xA100]  }
0x85: {  	v1 =	vadd.f32 v3, v1  }
0x86: {  	v3 =	vld [tilespmem:s25+$0xA180]  }
0x87: {  	v1 =	vadd.f32 v4, v1  }
0x88: {  	v55 =	vld [tilespmem:s25+$0xA200]  }
0x89: {  	v1 =	vadd.f32 v2, v1  }
0x8a: {  	v2 =	vld [tilespmem:s25+$0xA280]  }
0x8b: {  	v1 =	vadd.f32 v3, v1  }
0x8c: {  	v3 =	vld [tilespmem:s25+$0xB300]  }
0x8d: {  	v1 =	vadd.f32 v55, v1  }
0x8e: {  	v56 =	vld [tilespmem:s25+$0xB380]  }
0x8f: {  	v1 =	vadd.f32 v2, v1  }
0x90: {  	v2 =	vld [tilespmem:s25+$0xB400]  }
0x91: {  	v1 =	vadd.f32 v3, v1  }
0x92: {  	v3 =	vld [tilespmem:s25+$0xB480]  }
0x93: {  	v1 =	vadd.f32 v56, v1  }
0x94: {  	v57 =	vld [tilespmem:s25+$0xB500]  }
0x95: {  	v1 =	vadd.f32 v2, v1  }
0x96: {  	v2 =	vld [tilespmem:s25+$0xB580]  }
0x97: {  	v1 =	vadd.f32 v3, v1  }
0x98: {  	v3 =	vld [tilespmem:s25+$0xB600]  }
0x99: {  	v1 =	vadd.f32 v57, v1  }
0x9a: {  	v58 =	vld [tilespmem:s25+$0xB680]  }
0x9b: {  	v1 =	vadd.f32 v2, v1;
	_ =	sdelay $0x1  }
0x9c: {  	v1 =	vadd.f32 v3, v1;
	_ =	sdelay $0x1  }
0x9d: {  	v1 =	vadd.f32 v58, v1  }
0x9e: {  	s24 =	sadd.s32 $0x10, s24  }
0x9f: {  	s30 =	simm.s32 $0x0;
	[tilespmem:s24+$0x0] =	vst v1;
	s24 =	simm.s32 $0xC700  }
0xa0: {  	[hbm4b:s9+s30] =	stream.linear.scatter [tilespmem:s24], [sflag:$0x1], $0x280, $0x38;
	[tilespmem:$0x11980] =	vst v63  }
0xa1: {  	_ =	swait.ge [sflag:s13], $0x280  }
0xa2: {  	[sflag:s13] =	ssyncset.done $0x0  }
0xa3: {  	[sflag:s13] =	ssyncadd.s32 $0xFFFFFD80  }
0xa4: {  	[tilespmem:s21], [sflag:$0x1] =	stream.strided.gather [spmem:s10], $0x2800, s20, s19, $0x38;
	[tilespmem:$0x11980] =	vst v63  }
0xa5: {  	_ =	swait.ge [sflag:s13], $0x2800  }
0xa6: {  	s26 =	sand.u32 $0x70, s30;
	s25 =	sand.u32 $0x1C00, s30;
	[sflag:s13] =	ssyncset.done $0x0  }
0xa7: {  	s25 =	sor.u32 s26, s25;
	[sflag:s13] =	ssyncadd.s32 $0xFFFFD800  }
0xa8: {  	v1 =	vld [tilespmem:s25+$0x9F80]  }
0xa9: {  	v2 =	vld [tilespmem:s25+$0x9F00];
	_ =	sdelay $0x1  }
0xaa: {  	v3 =	vld [tilespmem:s25+$0xA000];
	_ =	sdelay $0x1  }
0xab: {  	v59 =	vld [tilespmem:s25+$0xA080]  }
0xac: {  	v1 =	vadd.f32 v1, v2  }
0xad: {  	v2 =	vld [tilespmem:s25+$0xA100]  }
0xae: {  	v1 =	vadd.f32 v3, v1  }
0xaf: {  	v3 =	vld [tilespmem:s25+$0xA180]  }
0xb0: {  	v1 =	vadd.f32 v59, v1  }
0xb1: {  	v60 =	vld [tilespmem:s25+$0xA200]  }
0xb2: {  	v1 =	vadd.f32 v2, v1  }
0xb3: {  	v2 =	vld [tilespmem:s25+$0xA280]  }
0xb4: {  	v1 =	vadd.f32 v3, v1  }
0xb5: {  	v3 =	vld [tilespmem:s25+$0xB300]  }
0xb6: {  	v1 =	vadd.f32 v60, v1  }
0xb7: {  	v61 =	vld [tilespmem:s25+$0xB380]  }
0xb8: {  	v1 =	vadd.f32 v2, v1  }
0xb9: {  	v2 =	vld [tilespmem:s25+$0xB400]  }
0xba: {  	v1 =	vadd.f32 v3, v1  }
0xbb: {  	v3 =	vld [tilespmem:s25+$0xB480]  }
0xbc: {  	v1 =	vadd.f32 v61, v1  }
0xbd: {  	v62 =	vld [tilespmem:s25+$0xB500]  }
0xbe: {  	v1 =	vadd.f32 v2, v1  }
0xbf: {  	v2 =	vld [tilespmem:s25+$0xB580]  }
0xc0: {  	v1 =	vadd.f32 v3, v1  }
0xc1: {  	v3 =	vld [tilespmem:s25+$0xB600]  }
0xc2: {  	v1 =	vadd.f32 v62, v1  }
0xc3: {  	v63 =	vld [tilespmem:s25+$0xB680]  }
0xc4: {  	v1 =	vadd.f32 v2, v1;
	_ =	sdelay $0x1  }
0xc5: {  	v1 =	vadd.f32 v3, v1;
	_ =	sdelay $0x1  }
0xc6: {  	s31 =	simm.s32 $0x10;
	s26 =	simm.s32 $0x80;
	v1 =	vadd.f32 v63, v1  }
0xc7: {  	s28 =	sand.u32 $0x1C00, s26;
	s25 =	sand.u32 $0x70, s31  }
0xc8: {  	s25 =	sor.u32 s25, s28;
	s28 =	simm.s32 $0x20;
	[tilespmem:s24+$0x0] =	vst v1  }
.LBB2_6:
0xc9: {  	p0 =	sne.s32 s28, $0x270;
	v1 =	vld [tilespmem:s25+$0x9F80]  }
0xca: {  	v2 =	vld [tilespmem:s25+$0x9F00];
	_ =	sdelay $0x1  }
0xcb: {  	v3 =	vld [tilespmem:s25+$0xA000];
	_ =	sdelay $0x1  }
0xcc: {  	v4 =	vld [tilespmem:s25+$0xA080]  }
0xcd: {  	v1 =	vadd.f32 v1, v2  }
0xce: {  	v2 =	vld [tilespmem:s25+$0xA100]  }
0xcf: {  	v1 =	vadd.f32 v3, v1  }
0xd0: {  	v3 =	vld [tilespmem:s25+$0xA180]  }
0xd1: {  	v1 =	vadd.f32 v4, v1  }
0xd2: {  	v4 =	vld [tilespmem:s25+$0xA200]  }
0xd3: {  	v1 =	vadd.f32 v2, v1  }
0xd4: {  	v2 =	vld [tilespmem:s25+$0xA280]  }
0xd5: {  	v1 =	vadd.f32 v3, v1  }
0xd6: {  	v3 =	vld [tilespmem:s25+$0xB300]  }
0xd7: {  	v1 =	vadd.f32 v4, v1  }
0xd8: {  	v4 =	vld [tilespmem:s25+$0xB380]  }
0xd9: {  	v1 =	vadd.f32 v2, v1  }
0xda: {  	v2 =	vld [tilespmem:s25+$0xB400]  }
0xdb: {  	v1 =	vadd.f32 v3, v1  }
0xdc: {  	v3 =	vld [tilespmem:s25+$0xB480]  }
0xdd: {  	v1 =	vadd.f32 v4, v1  }
0xde: {  	v4 =	vld [tilespmem:s25+$0xB500]  }
0xdf: {  	v1 =	vadd.f32 v2, v1  }
0xe0: {  	v2 =	vld [tilespmem:s25+$0xB580]  }
0xe1: {  	v1 =	vadd.f32 v3, v1  }
0xe2: {  	v3 =	vld [tilespmem:s25+$0xB600]  }
0xe3: {  	v1 =	vadd.f32 v4, v1  }
0xe4: {  	v4 =	vld [tilespmem:s25+$0xB680]  }
0xe5: {  	v1 =	vadd.f32 v2, v1;
	_ =	sdelay $0x1  }
.Ltmp2:
0xe6: {  	v1 =	vadd.f32 v3, v1;
	(pc) =	sbr.rel @p0 .LBB2_6-.Ltmp2, $4  }
0xe7: {  	_ = 	snop  }
0xe8: {  	s26 =	sadd.s32 $0x80, s26;
	v1 =	vadd.f32 v4, v1  }
0xe9: {  	s24 =	sadd.s32 $0x10, s24;
	s29 =	sand.u32 $0x1C00, s26;
	s25 =	sand.u32 $0x70, s28  }
0xea: {  	s28 =	sadd.s32 $0x10, s28;
	s25 =	sor.u32 s25, s29;
	[tilespmem:s24+$0x0] =	vst v1  }
0xeb: {  	v1 =	vld [tilespmem:s25+$0x9F80]  }
0xec: {  	v2 =	vld [tilespmem:s25+$0x9F00];
	_ =	sdelay $0x1  }
0xed: {  	v3 =	vld [tilespmem:s25+$0xA000];
	_ =	sdelay $0x1  }
0xee: {  	v4 =	vld [tilespmem:s25+$0xA080]  }
0xef: {  	v1 =	vadd.f32 v1, v2  }
0xf0: {  	v2 =	vld [tilespmem:s25+$0xA100]  }
0xf1: {  	v1 =	vadd.f32 v3, v1  }
0xf2: {  	v3 =	vld [tilespmem:s25+$0xA180]  }
0xf3: {  	v1 =	vadd.f32 v4, v1  }
0xf4: {  	v60 =	vld [tilespmem:s25+$0xA200]  }
0xf5: {  	v1 =	vadd.f32 v2, v1  }
0xf6: {  	v2 =	vld [tilespmem:s25+$0xA280]  }
0xf7: {  	v1 =	vadd.f32 v3, v1  }
0xf8: {  	v3 =	vld [tilespmem:s25+$0xB300]  }
0xf9: {  	v1 =	vadd.f32 v60, v1  }
0xfa: {  	v61 =	vld [tilespmem:s25+$0xB380]  }
0xfb: {  	v1 =	vadd.f32 v2, v1  }
0xfc: {  	v2 =	vld [tilespmem:s25+$0xB400]  }
0xfd: {  	v1 =	vadd.f32 v3, v1  }
0xfe: {  	v3 =	vld [tilespmem:s25+$0xB480]  }
0xff: {  	v1 =	vadd.f32 v61, v1  }
0x100: {  	v62 =	vld [tilespmem:s25+$0xB500]  }
0x101: {  	v1 =	vadd.f32 v2, v1  }
0x102: {  	v2 =	vld [tilespmem:s25+$0xB580]  }
0x103: {  	v1 =	vadd.f32 v3, v1  }
0x104: {  	v3 =	vld [tilespmem:s25+$0xB600]  }
0x105: {  	v1 =	vadd.f32 v62, v1  }
0x106: {  	v63 =	vld [tilespmem:s25+$0xB680]  }
0x107: {  	v1 =	vadd.f32 v2, v1;
	_ =	sdelay $0x1  }
0x108: {  	v1 =	vadd.f32 v3, v1;
	_ =	sdelay $0x1  }
0x109: {  	s23 =	sadd.s32 $0x1, s23;
	v1 =	vadd.f32 v63, v1  }
0x10a: {  	s24 =	sadd.s32 $0x10, s24;
	p0 =	sne.s32 s23, s12  }
.Ltmp3:
0x10b: {  	[tilespmem:s24+$0x0] =	vst v1;
	(pc) =	sbr.rel @p0 .LBB2_1-.Ltmp3, $4  }
0x10c: {  	[hbm4b:s11+s2] =	stream.linear.scatter [tilespmem:s22], [sflag:$0x1], $0x280, $0x38;
	[tilespmem:$0x11980] =	vst v63  }
0x10d: {  	_ =	swait.ge [sflag:s13], $0x280  }
0x10e: {  	[sflag:s13] =	ssyncset.done $0x0  }
0x10f: {  	[sflag:s13] =	ssyncadd.s32 $0xFFFFFD80  }
0x110: {  	_ =	sfence.sel $0x180000  }
0x111: {  	[bflag:$0x0] =	sbarrier.arrive $0xFFFF  }
0x112: {  	p0 =	sne.s32 s1, $0x0;
	_ =	strace $0x90000047  }
0x113: {  	s0 =	sadd.s32 @!p0 $0x100000, s0;
	[bflag:$0x2] =	sbarrier.arrive $0xFFFF  }
0x114: {  	[sflag:s0] =	ssyncadd.tile.s32 @!p0 $0x1;
	_ =	shalt  }
.Lfunc_end2:
_tile_overlayer_lowered:
.L_overlay_start_2:
0x115: {  	(tag) =	ssettag $0x2  }
0x116: {  	s0 =	rddreg [dreg:$0x0];
	s2 =	stileid.u32  }
0x117: {  	s1 =	rddreg [dreg:$0x1];
	p0 =	sne.s32 s2, $0x0  }
0x118: {  	s3 =	rddreg [dreg:$0x2];
	[bflag:$0x3] =	sbarrier.arrive $0xFFFF;
	s2 =	simm.s32 @!p0 $0x1C01  }
0x119: {  	[timem:s3], [sflag:s2] =	dma.local @!p0 [hbm:s0], s1  }
0x11a: {  	s0 =	simm.s32 @!p0 $0x1  }
0x11b: {  	_ =	swait.ge @!p0 [sflag:s0], s1  }
0x11c: {  	s1 =	ssub.s32 @!p0 $0x0, s1;
	[sflag:s0] =	ssyncset.done @!p0 $0x0  }
0x11d: {  	[sflag:s0] =	ssyncadd.s32 @!p0 s1  }
0x11e: {  	[bflag:$0x3] =	sbarrier.arrive $0xFFFF  }
0x11f: {  	_ =	shalt  }

// kernel: kernel.9.cloned.1.call-start
scs
__scs_entry_jumppad:
0x0: {  	(pc) =	sbr.rel $0x88, $3  }
0x1: {  	(tag) =	ssettag $0x0;
	lr =	simm.s32 $0x1  }
0x2: {  	[smem:$0x3F9D] =	sst lr;
	_ =	strace $0xD0000000  }
0x3: {  	_ = 	snop  }
0x4: {  	_ = 	snop  }
0x5: {  	_ = 	snop  }
0x6: {  	_ = 	snop  }
0x7: {  	_ = 	snop  }
__scs_overlays_trampoline_lowered:
0x8: {  	[smem:$0x3FAC] =	sst s0  }
0x9: {  	[smem:$0x3FAD] =	sst s1  }
0xa: {  	[smem:$0x3FAE] =	sst s2  }
0xb: {  	[smem:$0x3FAF] =	sst s3  }
0xc: {  	[smem:$0x3FB0] =	sst s4  }
0xd: {  	[smem:$0x3FB1] =	sst s5  }
0xe: {  	[smem:$0x3FB2] =	sst s6  }
0xf: {  	[smem:$0x3FB3] =	sst s7  }
0x10: {  	[smem:$0x3FB4] =	sst s8  }
0x11: {  	[smem:$0x3FB5] =	sst s9;
	s0 =	simm.s32 @!p0 $0x0  }
0x12: {  	s1 =	sld [smem:$0x3F9B];
	s0 =	simm.s32 @p0 $0x1  }
0x13: {  	[smem:$0x3FB6] =	sst s0;
	s0 =	simm.s32 @!p1 $0x0  }
0x14: {  	s2 =	sld [smem:$0x3F9A];
	s0 =	simm.s32 @p1 $0x1  }
0x15: {  	[smem:$0x3FB7] =	sst s0;
	s0 =	simm.s32 @!p2 $0x0  }
0x16: {  	s3 =	sld [smem:$0x3FDB];
	s0 =	simm.s32 @p2 $0x1  }
0x17: {  	s4 =	simm.s32 $0x1BF5;
	[smem:$0x3FB9] =	sst s0  }
0x18: {  	s0 =	sld [smem:$0x3F9C];
	_ =	swait.ge [sflag:s4], $0x0  }
0x19: {  	s7 =	sld [smem:$0x3F9D]  }
0x1a: {  	s8 =	sadd.s32 $0xFFFFE003, lr  }
0x1b: {  	s9 =	sadd.s32 $0xFFFFFEF7, lr;
	s5 =	simm.s32 $0xFFFFFFFF;
	p2 =	slt.u32 s8, $0xFFFFF086  }
0x1c: {  	p1 =	slt.u32 s9, $0xF7A;
	s5 =	simm.s32 @!p2 $0x0  }
0x1d: {  	s5 =	simm.s32 @p1 $0x1;
	p0 =	seq.s32 s7, s2  }
0x1e: {  	s7 =	smul.u32 @!p0 $0xF7A, s2;
	p2 =	seq.s32 @!p0 s5, $0x0  }
0x1f: {  	s9 =	smul.u32 $0xF7A, s1;
	s8 =	simm.s32 @!p0 $0x1BF5;
	p2 =	por !p2, p0  }
0x20: {  	[sflag:s8] =	ssyncset.s32 @!p0 $0xFFFFF086;
	s6 =	sadd.s32 @!p0 s3, s7;
	s7 =	simm.s32 @!p0 $0x108  }
0x21: {  	s3 =	sadd.s32 s3, s9;
	s6 =	sadd.s32 @!p0 $0x88, s6;
	s7 =	simm.s32 @p2 $0x1082  }
0x22: {  	[simem:s7], [sflag:s8] =	dma.local @!p0 [hbm:s6], $0xF7A  }
0x23: {  	s9 =	sor.u32 $0xD0000000, s2;
	s6 =	simm.s32 $0x108;
	_ =	swait.ge @!p0 [sflag:s8], $0x0  }
0x24: {  	s3 =	sadd.s32 $0x88, s3;
	s6 =	simm.s32 @!p1 $0x1082;
	[sflag:s4] =	ssyncset.s32 $0xFFFFF086  }
0x25: {  	[simem:s6], [sflag:s4] =	dma.local [hbm:s3], $0xF7A  }
0x26: {  	[smem:$0x3F9D] =	sst s1;
	(tag) =	ssettag s2;
	_ =	strace s9  }
0x27: {  	s1 =	sld [smem:$0x3FAD]  }
0x28: {  	s2 =	sld [smem:$0x3FAE]  }
0x29: {  	s4 =	sld [smem:$0x3FB0]  }
0x2a: {  	p0 =	seq.s32 s5, $0x0;
	s5 =	sld [smem:$0x3FB1]  }
0x2b: {  	s6 =	sld [smem:$0x3FB2]  }
0x2c: {  	s7 =	sld [smem:$0x3FB3]  }
0x2d: {  	s3 =	simm.s32 $0x108;
	s8 =	sld [smem:$0x3FB4]  }
0x2e: {  	s3 =	simm.s32 @!p0 $0x1082;
	s9 =	sld [smem:$0x3FB5]  }
0x2f: {  	lr =	sadd.s32 s0, s3;
	s0 =	sld [smem:$0x3FAC]  }
0x30: {  	s3 =	sld [smem:$0x3FAF]  }
0x31: {  	[smem:$0x3FB8] =	sst s10  }
0x32: {  	s10 =	sld [smem:$0x3FB6];
	_ =	sdelay $0x3  }
0x33: {  	p0 =	seq.s32 s10, $0x1;
	s10 =	sld [smem:$0x3FB8];
	_ =	sdelay $0x3  }
0x34: {  	[smem:$0x3FB8] =	sst s10  }
0x35: {  	s10 =	sld [smem:$0x3FB7];
	_ =	sdelay $0x3  }
0x36: {  	p1 =	seq.s32 s10, $0x1;
	s10 =	sld [smem:$0x3FB8];
	_ =	sdelay $0x3  }
0x37: {  	[smem:$0x3FB8] =	sst s10  }
0x38: {  	s10 =	sld [smem:$0x3FB9]  }
0x39: {  	_ = 	snop;
	(pc) =	sbr.ind lr, $3  }
0x3a: {  	_ = 	snop  }
0x3b: {  	_ = 	snop  }
0x3c: {  	p2 =	seq.s32 s10, $0x1;
	s10 =	sld [smem:$0x3FB8]  }
0x3d: {  	_ =	shalt  }
0x3e: {  	_ =	shalt  }
0x3f: {  	_ =	shalt  }
0x40: {  	_ =	shalt  }
0x41: {  	_ =	shalt  }
0x42: {  	_ =	shalt  }
0x43: {  	_ =	shalt  }
0x44: {  	_ =	shalt  }
0x45: {  	_ =	shalt  }
0x46: {  	_ =	shalt  }
0x47: {  	_ =	shalt  }
0x48: {  	_ =	shalt  }
0x49: {  	_ =	shalt  }
0x4a: {  	_ =	shalt  }
0x4b: {  	_ =	shalt  }
0x4c: {  	_ =	shalt  }
0x4d: {  	_ =	shalt  }
0x4e: {  	_ =	shalt  }
0x4f: {  	_ =	shalt  }
0x50: {  	_ =	shalt  }
0x51: {  	_ =	shalt  }
0x52: {  	_ =	shalt  }
0x53: {  	_ =	shalt  }
0x54: {  	_ =	shalt  }
0x55: {  	_ =	shalt  }
0x56: {  	_ =	shalt  }
0x57: {  	_ =	shalt  }
0x58: {  	_ =	shalt  }
0x59: {  	_ =	shalt  }
0x5a: {  	_ =	shalt  }
0x5b: {  	_ =	shalt  }
0x5c: {  	_ =	shalt  }
0x5d: {  	_ =	shalt  }
0x5e: {  	_ =	shalt  }
0x5f: {  	_ =	shalt  }
0x60: {  	_ =	shalt  }
0x61: {  	_ =	shalt  }
0x62: {  	_ =	shalt  }
0x63: {  	_ =	shalt  }
0x64: {  	_ =	shalt  }
0x65: {  	_ =	shalt  }
0x66: {  	_ =	shalt  }
0x67: {  	_ =	shalt  }
0x68: {  	_ =	shalt  }
0x69: {  	_ =	shalt  }
0x6a: {  	_ =	shalt  }
0x6b: {  	_ =	shalt  }
0x6c: {  	_ =	shalt  }
0x6d: {  	_ =	shalt  }
0x6e: {  	_ =	shalt  }
0x6f: {  	_ =	shalt  }
0x70: {  	_ =	shalt  }
0x71: {  	_ =	shalt  }
0x72: {  	_ =	shalt  }
0x73: {  	_ =	shalt  }
0x74: {  	_ =	shalt  }
0x75: {  	_ =	shalt  }
0x76: {  	_ =	shalt  }
0x77: {  	_ =	shalt  }
0x78: {  	_ =	shalt  }
0x79: {  	_ =	shalt  }
0x7a: {  	_ =	shalt  }
0x7b: {  	_ =	shalt  }
0x7c: {  	_ =	shalt  }
0x7d: {  	_ =	shalt  }
0x7e: {  	_ =	shalt  }
0x7f: {  	_ =	shalt  }
0x80: {  	_ =	shalt  }
0x81: {  	_ =	shalt  }
0x82: {  	_ =	shalt  }
0x83: {  	_ =	shalt  }
0x84: {  	_ =	shalt  }
0x85: {  	_ =	shalt  }
0x86: {  	_ =	shalt  }
0x87: {  	_ =	shalt  }
.Lfunc_end0:
.L_simem_size_0:
called_computation.1_lowered:
.L_overlay_start_0:
0x88: {  	s2 =	sld [smem:$0x3FD9]  }
0x89: {  	s3 =	sld [smem:$0x3FFE];
	_ =	sdelay $0x1  }
0x8a: {  	s1 =	srdreg.scid  }
0x8b: {  	s0 =	sand.u32 $0x1, s1  }
0x8c: {  	s17 =	sshll.u32 s0, $0xA;
	s2 =	sadd.s32 s3, s2  }
0x8d: {  	s2 =	sadd.s32 s2, s17  }
0x8e: {  	[smem:$0x3FC4] =	sst s2  }
0x8f: {  	_ = 	snop  }
0x90: {  	s2 =	sld [smem:$0x3FD0];
	(tm) =	ssettm $0x1  }
0x91: {  	s18 =	sld [smem:$0x3FFB];
	_ =	sdelay $0x3  }
0x92: {  	_ =	strace s18  }
0x93: {  	s3 =	sld [smem:$0x3FFC];
	_ =	sdelay $0x3  }
0x94: {  	_ =	strace s3  }
0x95: {  	s3 =	sld [smem:$0x3FFD];
	_ =	sdelay $0x3  }
0x96: {  	_ =	strace s3  }
0x97: {  	_ =	strace $0x8FFFFFFF  }
0x98: {  	s19 =	sld [smem:$0x3FDB];
	_ =	sdelay $0x1  }
0x99: {  	s4 =	simm.s32 $_scs_section_size  }
0x9a: {  	s5 =	simm.s32 $_size__tile_overlayer_lowered;
	s6 =	simm.s32 $_tile_overlayer_lowered  }
0x9b: {  	s22 =	simm.s32 $0x1BFF;
	s21 =	sshll.u32 s6, $0x1;
	s3 =	sadd.s32 s4, s19  }
0x9c: {  	s7 =	simm.s32 $0x0;
	s20 =	sshll.u32 s5, $0x1;
	s5 =	sadd.s32 s21, s3  }
0x9d: {  	[timem:s7], [sflag:s22] =	dma.local [hbm:s5], s20  }
0x9e: {  	_ =	swait.ge [sflag:s22], s20  }
0x9f: {  	s4 =	ssub.s32 $0x0, s20;
	[sflag:s22] =	ssyncset.done $0x0  }
0xa0: {  	[sflag:s22] =	ssyncadd.s32 s4;
	_ =	sdelay $0x1  }
0xa1: {  	s23 =	simm.s32 $0x1B8B  }
0xa2: {  	_ =	swait.ge [sflag:s23], $0x1  }
0xa3: {  	[sflag:s23] =	ssyncset.done $0x0  }
0xa4: {  	s25 =	simm.s32 $0x1B8E;
	s24 =	sld [smem:$0x3FFE];
	[sflag:s23] =	ssyncadd.s32 $0xFFFFFFFF  }
0xa5: {  	s26 =	simm.s32 $execute0_lowered;
	[smem:$0x3FD2] =	sst s25  }
0xa6: {  	s5 =	sshll.u32 s26, $0x1;
	_ =	strace $0x80000049;
	[dreg:$0x1] =	wrdreg $0xFFFFFFFF  }
0xa7: {  	s28 =	simm.s32 $_size_execute0_lowered;
	s3 =	sadd.s32 s3, s5;
	[dreg:$0x0] =	wrdreg $0x0  }
0xa8: {  	s5 =	sshll.u32 s28, $0x1;
	[dreg:$0x2] =	wrdreg s3  }
0xa9: {  	[dreg:$0x3] =	wrdreg s5  }
0xaa: {  	[dreg:$0x4] =	wrdreg $0xC0  }
0xab: {  	_ =	task [dreg:s7], $0x5FFFF  }
0xac: {  	[dreg:$0x1] =	wrdreg $0xFFFFFFFF  }
0xad: {  	[dreg:$0x0] =	wrdreg $0x60  }
0xae: {  	[dreg:$0x2] =	wrdreg s24  }
0xaf: {  	[dreg:$0x3] =	wrdreg s2  }
0xb0: {  	[dreg:$0x4] =	wrdreg $0x82000  }
0xb1: {  	[dreg:$0x5] =	wrdreg $0x9  }
0xb2: {  	_ =	task.clear_ibuf [dreg:s7], $0x6FFFF;
	_ =	strace $0x90000049  }
0xb3: {  	s29 =	simm.s32 $0x9;
	_ =	strace $0x8000004B  }
0xb4: {  	_ =	swait.ge [sflag:s29], $0x1  }
0xb5: {  	[sflag:s29] =	ssyncadd.s32 $0xFFFFFFFF  }
0xb6: {  	_ =	strace $0x9000004B  }
0xb7: {  	_ =	sfence  }
0xb8: {  	s30 =	sld [smem:$0x0];
	_ =	sdelay $0x2  }
0xb9: {  	s31 =	sshll.u32 s1, $0xD;
	s1 =	sshrl.u32 s1, $0x2  }
0xba: {  	s3 =	sand.u32 $0x4000, s31;
	s1 =	sadd.s32 s1, s30  }
0xbb: {  	s0 =	sor.u32 s3, s0;
	s1 =	sshll.u32 s1, $0x11  }
0xbc: {  	s0 =	sor.u32 s1, s0  }
0xbd: {  	s0 =	sadd.s32 $0x8F2B, s0  }
0xbe: {  	[sflag:s0] =	ssyncadd.remote.s32 $0x1  }
0xbf: {  	_ =	sfence.sel $0xFFFF  }
0xc0: {  	[dreg:$0x0] =	wrdreg $0xFFFFFFFF;
	(pc) =	sbr.abs _section_cstart, $3  }
0xc1: {  	[dreg:$0x1] =	wrdreg $0xFFFFFFFF  }
0xc2: {  	_ =	task.clear_ibuf [dreg:s7], $0x2FFFF;
	_ =	strace $0x9FFFFFFF  }
0xc3: {  	(tm) =	ssettm $0x7FFFFFFF  }
tec
execute0_lowered:
.L_overlay_start_1:
0x0: {  	(tag) =	ssettag $0x1  }
0x1: {  	s0 =	rddreg [dreg:$0x0]  }
0x2: {  	s1 =	rddreg [dreg:$0x1]  }
0x3: {  	s3 =	srdreg.scid;
	s2 =	rddreg [dreg:$0x2]  }
0x4: {  	s17 =	stileid.u32;
	s18 =	simm.s32 $0x80;
	s20 =	simm.s32 $0x3  }
0x5: {  	s21 =	simm.s32 $0x5;
	s23 =	simm.s32 $0x0;
	s12 =	sand.u32 $0x1, s3  }
0x6: {  	s3 =	simm.s32 $0x0;
	s5 =	smul.u32 $0x14000, s17;
	s24 =	sadd.s32 $0x29A00, s0  }
0x7: {  	s13 =	sshll.u32 s17, $0x1;
	s8 =	smul.u32 $0x50000, s17;
	s28 =	sshll.u32 s17, $0x6  }
0x8: {  	s16 =	sshll.u32 s17, $0x8;
	s30 =	sshll.u32 s17, $0x5;
	s4 =	smul.u32 $0x140000, s12  }
0x9: {  	[smem:$0x7FF] =	sst s3;
	s7 =	ssub.s32 $0x2, s12;
	s29 =	ssub.s32 $0x4E200, s16  }
0xa: {  	s31 =	sshll.u32 s12, $0x4;
	s16 =	simm.s32 $0x7;
	_ =	strace $0x8000004A  }
0xb: {  	[dreg:$0x6] =	wrdreg s24;
	s9 =	sshrl.u32 s7, $0x1;
	s25 =	sshrl.u32 s8, $0x2  }
0xc: {  	s8 =	sor.u32 $0x1C07, s28;
	[dreg:$0x5] =	wrdreg s29;
	s6 =	sadd.s32 s5, s4  }
0xd: {  	s4 =	sadd.s32 $0x1A00, s0;
	s14 =	ssub.s32 s7, s9;
	s6 =	sshrl.u32 s6, $0x3  }
0xe: {  	s15 =	sadd.s32 s25, s2;
	s0 =	sadd.s32 s6, s0;
	s6 =	sor.u32 s12, s13  }
0xf: {  	s15 =	sshrl.u32 s15, $0x3;
	s13 =	ssub.s32 $0x9A4, s13;
	s26 =	sshll.u32 s6, $0x4  }
0x10: {  	[dreg:$0x4] =	wrdreg s13;
	s12 =	sadd.s32 $0x2C200, s0;
	s7 =	sadd.s32 s1, s26  }
0x11: {  	s13 =	smax.u32 s14, $0x1;
	s1 =	sadd.s32 s30, s1;
	s9 =	sadd.s32 $0x9C40, s7  }
0x12: {  	s10 =	sadd.s32 $0x200, s7;
	s11 =	sadd.s32 $0x9E40, s7;
	s14 =	sadd.s32 s31, s1  }
.LBB2_1:
0x13: {  	s0 =	rddreg [dreg:$0x6]  }
0x14: {  	[spmem:s15], [sflag:s8] =	dma.local [hbm:s0], $0x2800  }
0x15: {  	_ =	swait.ge [sflag:s16], $0x2800  }
0x16: {  	[sflag:s16] =	ssyncset.done $0x0  }
0x17: {  	[sflag:s16] =	ssyncadd.s32 $0xFFFFD800  }
0x18: {  	[bflag:$0x0] =	sbarrier.arrive $0xFFFF  }
0x19: {  	[tilespmem:s3], [sflag:$0x3] =	stream.linear.gather [hbm4b:s7+s3], $0x80, $0x38;
	[tilespmem:$0x1C200] =	vst v63  }
0x1a: {  	s19 =	simm.s32 $0x100  }
0x1b: {  	[tilespmem:s19], [sflag:$0x5] =	stream.linear.gather [hbm4b:s9+s3], $0x80, $0x38;
	[tilespmem:$0x1C200] =	vst v63  }
0x1c: {  	_ = 	snop  }
0x1d: {  	[tilespmem:s18], [sflag:$0x4] =	stream.linear.gather [hbm4b:s10+s3], $0x80, $0x38;
	[tilespmem:$0x1C200] =	vst v63  }
0x1e: {  	s22 =	simm.s32 $0x180  }
0x1f: {  	[tilespmem:s22], [sflag:$0x6] =	stream.linear.gather [hbm4b:s11+s3], $0x80, $0x38;
	[tilespmem:$0x1C200] =	vst v63  }
0x20: {  	_ =	swait.ge [sflag:s20], $0x80  }
0x21: {  	[sflag:s20] =	ssyncset.done $0x0  }
0x22: {  	[sflag:s20] =	ssyncadd.s32 $0xFFFFFF80  }
0x23: {  	_ =	swait.ge [sflag:s21], $0x80  }
0x24: {  	[sflag:s21] =	ssyncset.done $0x0;
	s24 =	rddreg [dreg:$0x4]  }
0x25: {  	s1 =	simm.s32 $0x200;
	[sflag:s21] =	ssyncadd.s32 $0xFFFFFF80;
	p0 =	sle.u32 s24, $0x0  }
0x26: {  	[tilespmem:s1], [sflag:$0x1] =	stream.indirect.gather [hbm4b:s4+s18], $0x80, s3, s18, $0xb8;
	[tilespmem:$0x1C200] =	vst v63  }
0x27: {  	s0 =	simm.s32 @!p0 $0x4  }
0x28: {  	_ =	swait.ge @!p0 [sflag:s0], $0x80  }
0x29: {  	[sflag:s0] =	ssyncset.done @!p0 $0x0  }
0x2a: {  	[sflag:s0] =	ssyncadd.s32 @!p0 $0xFFFFFF80;
	s0 =	simm.s32 @!p0 $0x6  }
0x2b: {  	_ =	swait.ge @!p0 [sflag:s0], $0x80  }
0x2c: {  	s26 =	simm.s32 @!p0 $0x4200;
	[sflag:s0] =	ssyncset.done @!p0 $0x0;
	s25 =	rddreg [dreg:$0x5]  }
0x2d: {  	[sflag:s0] =	ssyncadd.s32 @!p0 $0xFFFFFF80;
	s0 =	simm.s32 @!p0 $0x80;
	p2 =	sle.u32 s25, $0x0  }
0x2e: {  	[tilespmem:s26], [sflag:$0x2] =	stream.indirect.gather @!p0 [hbm4b:s4+s0], $0x80, s0, s0, $0xb8;
	[tilespmem:$0x1C200] =	vst v63  }
0x2f: {  	s1 =	simm.s32 @!p2 $0x1  }
0x30: {  	s25 =	sadd.s32 $0x0, s6;
	s24 =	simm.s32 @!p2 $0x7;
	_ =	swait.ge @!p2 [sflag:s1], $0x4000  }
0x31: {  	s28 =	sadd.s32 $0x40, s25;
	s29 =	simm.s32 @!p2 $0x100;
	[sflag:s1] =	ssyncset.done @!p2 $0x0  }
0x32: {  	s30 =	simm.s32 @!p2 $0x200;
	[sflag:s1] =	ssyncadd.s32 @!p2 $0xFFFFC000;
	s1 =	simm.s32 @!p2 $0x80  }
0x33: {  	[spmem:s2] =	stream.indirect.scatter.add.f32 @!p2 [tilespmem:s30], [sflag:$0x7], $0x80, s29, s1, $0xb8;
	[tilespmem:$0x1C200] =	vst v63  }
0x34: {  	p1 =	sgt.u32 s28, $0x9C3;
	_ =	swait.ge @!p2 [sflag:s24], $0x4000  }
0x35: {  	s1 =	sadd.s32 @!p1 $0x0, s14;
	[sflag:s24] =	ssyncset.done @!p2 $0x0  }
0x36: {  	s29 =	simm.s32 @!p1 $0x0;
	s28 =	sadd.s32 @!p1 $0x400, s1;
	[sflag:s24] =	ssyncadd.s32 @!p2 $0xFFFFC000  }
0x37: {  	[tilespmem:s29], [sflag:$0x3] =	stream.linear.gather @!p1 [hbm4b:s28+s29], $0x80, $0x38;
	[tilespmem:$0x1C200] =	vst v63  }
0x38: {  	s1 =	sadd.s32 @!p1 $0xA040, s1;
	s24 =	simm.s32 @!p1 $0x100;
	s28 =	simm.s32 @!p1 $0x3  }
0x39: {  	[tilespmem:s24], [sflag:$0x5] =	stream.linear.gather @!p1 [hbm4b:s1+s29], $0x80, $0x38;
	[tilespmem:$0x1C200] =	vst v63  }
0x3a: {  	_ =	swait.ge @!p1 [sflag:s28], $0x80  }
0x3b: {  	[sflag:s28] =	ssyncset.done @!p1 $0x0  }
0x3c: {  	s1 =	simm.s32 @!p1 $0x5;
	[sflag:s28] =	ssyncadd.s32 @!p1 $0xFFFFFF80  }
0x3d: {  	_ =	swait.ge @!p1 [sflag:s1], $0x80  }
0x3e: {  	s17 =	simm.s32 @!p0 $0x7;
	s30 =	simm.s32 @!p1 $0x80;
	[sflag:s1] =	ssyncset.done @!p1 $0x0  }
0x3f: {  	s28 =	simm.s32 @!p1 $0x200;
	[sflag:s1] =	ssyncadd.s32 @!p1 $0xFFFFFF80;
	s1 =	simm.s32 @!p0 $0x2  }
0x40: {  	[tilespmem:s28], [sflag:$0x1] =	stream.indirect.gather @!p1 [hbm4b:s4+s30], $0x80, s29, s30, $0xb8;
	[tilespmem:$0x1C200] =	vst v63  }
0x41: {  	s24 =	simm.s32 $0x400;
	s28 =	simm.s32 $0x800;
	_ =	swait.ge @!p0 [sflag:s1], $0x4000  }
0x42: {  	s29 =	sadd.s32 $0x60, s25;
	s25 =	simm.s32 $0x2000;
	[sflag:s1] =	ssyncset.done @!p0 $0x0  }
0x43: {  	p2 =	sgt.u32 s29, $0x9C3;
	[sflag:s1] =	ssyncadd.s32 @!p0 $0xFFFFC000;
	s1 =	simm.s32 @!p0 $0x180  }
0x44: {  	[spmem:s2] =	stream.indirect.scatter.add.f32 @!p0 [tilespmem:s26], [sflag:$0x7], $0x80, s1, s0, $0xb8;
	[tilespmem:$0x1C200] =	vst v63  }
0x45: {  	s30 =	simm.s32 @!p2 $0x0;
	s26 =	simm.s32 $0x40;
	_ =	swait.ge @!p0 [sflag:s17], $0x4000  }
0x46: {  	s0 =	sadd.s32 @!p2 $0x0, s14;
	s1 =	simm.s32 @!p2 $0x80;
	[sflag:s17] =	ssyncset.done @!p0 $0x0  }
0x47: {  	s29 =	sadd.s32 @!p2 $0x600, s0;
	s31 =	rddreg [dreg:$0x4];
	[sflag:s17] =	ssyncadd.s32 @!p0 $0xFFFFC000  }
.LBB2_2:
0x48: {  	[tilespmem:s1], [sflag:$0x4] =	stream.linear.gather @!p2 [hbm4b:s29+s30], $0x80, $0x38;
	[tilespmem:$0x1C200] =	vst v63  }
0x49: {  	p0 =	sge.u32 s26, s31  }
0x4a: {  	s0 =	sadd.s32 @!p2 $0xA240, s0;
	s1 =	simm.s32 @!p2 $0x180;
	s17 =	simm.s32 @!p0 $0x4  }
0x4b: {  	[tilespmem:s1], [sflag:$0x6] =	stream.linear.gather @!p2 [hbm4b:s0+s30], $0x80, $0x38;
	[tilespmem:$0x1C200] =	vst v63  }
0x4c: {  	_ =	swait.ge @!p0 [sflag:s17], $0x80  }
0x4d: {  	[sflag:s17] =	ssyncset.done @!p0 $0x0  }
0x4e: {  	s0 =	simm.s32 @!p0 $0x6;
	[sflag:s17] =	ssyncadd.s32 @!p0 $0xFFFFFF80  }
0x4f: {  	_ =	swait.ge @!p0 [sflag:s0], $0x80  }
0x50: {  	s31 =	simm.s32 @!p0 $0x4200;
	[sflag:s0] =	ssyncset.done @!p0 $0x0;
	s22 =	rddreg [dreg:$0x5]  }
0x51: {  	s30 =	simm.s32 @!p0 $0x80;
	[sflag:s0] =	ssyncadd.s32 @!p0 $0xFFFFFF80;
	p3 =	sge.u32 s25, s22  }
0x52: {  	[tilespmem:s31], [sflag:$0x2] =	stream.indirect.gather @!p0 [hbm4b:s4+s30], $0x80, s30, s30, $0xb8;
	[tilespmem:$0x1C200] =	vst v63  }
0x53: {  	s1 =	sadd.s32 s26, s6;
	s0 =	simm.s32 @!p3 $0x1  }
0x54: {  	s19 =	sadd.s32 $0x40, s1;
	_ =	swait.ge @!p3 [sflag:s0], $0x4000  }
0x55: {  	s17 =	simm.s32 @!p3 $0x7;
	s22 =	simm.s32 @!p3 $0x100;
	[sflag:s0] =	ssyncset.done @!p3 $0x0  }
0x56: {  	s5 =	simm.s32 @!p3 $0x200;
	[sflag:s0] =	ssyncadd.s32 @!p3 $0xFFFFC000;
	s0 =	simm.s32 @!p3 $0x80  }
0x57: {  	[spmem:s2] =	stream.indirect.scatter.add.f32 @!p3 [tilespmem:s5], [sflag:$0x7], $0x80, s22, s0, $0xb8;
	[tilespmem:$0x1C200] =	vst v63  }
0x58: {  	s29 =	smov.u32 s24;
	p2 =	sgt.u32 s19, $0x9C3;
	_ =	swait.ge @!p3 [sflag:s17], $0x4000  }
0x59: {  	s0 =	sadd.s32 @!p2 s29, s14;
	[sflag:s17] =	ssyncset.done @!p3 $0x0  }
0x5a: {  	s19 =	simm.s32 @!p2 $0x0;
	s5 =	sadd.s32 @!p2 $0x400, s0;
	[sflag:s17] =	ssyncadd.s32 @!p3 $0xFFFFC000  }
0x5b: {  	[tilespmem:s19], [sflag:$0x3] =	stream.linear.gather @!p2 [hbm4b:s5+s19], $0x80, $0x38;
	[tilespmem:$0x1C200] =	vst v63  }
0x5c: {  	s0 =	sadd.s32 @!p2 $0xA040, s0;
	s17 =	simm.s32 @!p2 $0x3;
	s5 =	simm.s32 @!p2 $0x100  }
0x5d: {  	[tilespmem:s5], [sflag:$0x5] =	stream.linear.gather @!p2 [hbm4b:s0+s19], $0x80, $0x38;
	[tilespmem:$0x1C200] =	vst v63  }
0x5e: {  	_ =	swait.ge @!p2 [sflag:s17], $0x80  }
0x5f: {  	[sflag:s17] =	ssyncset.done @!p2 $0x0  }
0x60: {  	s0 =	simm.s32 @!p2 $0x5;
	[sflag:s17] =	ssyncadd.s32 @!p2 $0xFFFFFF80  }
0x61: {  	s24 =	smov.u32 s28;
	s28 =	sadd.s32 $0x400, s28;
	_ =	swait.ge @!p2 [sflag:s0], $0x80  }
0x62: {  	p1 =	sne.s32 s28, $0xA000;
	s5 =	simm.s32 @!p2 $0x200;
	[sflag:s0] =	ssyncset.done @!p2 $0x0  }
0x63: {  	s17 =	simm.s32 @!p2 $0x80;
	[sflag:s0] =	ssyncadd.s32 @!p2 $0xFFFFFF80;
	s0 =	simm.s32 @!p0 $0x2  }
0x64: {  	[tilespmem:s5], [sflag:$0x1] =	stream.indirect.gather @!p2 [hbm4b:s4+s17], $0x80, s19, s17, $0xb8;
	[tilespmem:$0x1C200] =	vst v63  }
0x65: {  	s26 =	sadd.s32 $0x40, s26;
	s1 =	sadd.s32 $0x60, s1;
	_ =	swait.ge @!p0 [sflag:s0], $0x4000  }
0x66: {  	s5 =	simm.s32 @!p0 $0x7;
	p2 =	sgt.u32 s1, $0x9C3;
	[sflag:s0] =	ssyncset.done @!p0 $0x0  }
.Ltmp0:
0x67: {  	[sflag:s0] =	ssyncadd.s32 @!p0 $0xFFFFC000;
	s0 =	simm.s32 @!p0 $0x180;
	(pc) =	sbr.rel @p1 .LBB2_2-.Ltmp0, $4  }
0x68: {  	[spmem:s2] =	stream.indirect.scatter.add.f32 @!p0 [tilespmem:s31], [sflag:$0x7], $0x80, s0, s30, $0xb8;
	[tilespmem:$0x1C200] =	vst v63  }
0x69: {  	s25 =	sadd.s32 $0x2000, s25;
	s1 =	simm.s32 @!p2 $0x80;
	_ =	swait.ge @!p0 [sflag:s5], $0x4000  }
0x6a: {  	s30 =	simm.s32 @!p2 $0x0;
	s0 =	sadd.s32 @!p2 s29, s14;
	[sflag:s5] =	ssyncset.done @!p0 $0x0  }
0x6b: {  	s29 =	sadd.s32 @!p2 $0x600, s0;
	s31 =	rddreg [dreg:$0x4];
	[sflag:s5] =	ssyncadd.s32 @!p0 $0xFFFFC000  }
0x6c: {  	[tilespmem:s1], [sflag:$0x4] =	stream.linear.gather @!p2 [hbm4b:s29+s30], $0x80, $0x38;
	[tilespmem:$0x1C200] =	vst v63  }
0x6d: {  	p0 =	sge.u32 s26, s31  }
0x6e: {  	s0 =	sadd.s32 @!p2 $0xA240, s0;
	s1 =	simm.s32 @!p2 $0x180;
	s5 =	simm.s32 @!p0 $0x4  }
0x6f: {  	[tilespmem:s1], [sflag:$0x6] =	stream.linear.gather @!p2 [hbm4b:s0+s30], $0x80, $0x38;
	[tilespmem:$0x1C200] =	vst v63  }
0x70: {  	_ =	swait.ge @!p0 [sflag:s5], $0x80  }
0x71: {  	[sflag:s5] =	ssyncset.done @!p0 $0x0  }
0x72: {  	s0 =	simm.s32 @!p0 $0x6;
	[sflag:s5] =	ssyncadd.s32 @!p0 $0xFFFFFF80  }
0x73: {  	_ =	swait.ge @!p0 [sflag:s0], $0x80  }
0x74: {  	s5 =	simm.s32 @!p0 $0x4200;
	[sflag:s0] =	ssyncset.done @!p0 $0x0;
	s31 =	rddreg [dreg:$0x5]  }
0x75: {  	[sflag:s0] =	ssyncadd.s32 @!p0 $0xFFFFFF80;
	s0 =	simm.s32 @!p0 $0x80;
	p2 =	sge.u32 s25, s31  }
0x76: {  	[tilespmem:s5], [sflag:$0x2] =	stream.indirect.gather @!p0 [hbm4b:s4+s0], $0x80, s0, s0, $0xb8;
	[tilespmem:$0x1C200] =	vst v63  }
0x77: {  	s17 =	sadd.s32 s26, s6;
	s1 =	simm.s32 @!p2 $0x1  }
0x78: {  	s22 =	sadd.s32 $0x40, s17;
	_ =	swait.ge @!p2 [sflag:s1], $0x4000  }
0x79: {  	s19 =	simm.s32 @!p2 $0x7;
	s25 =	simm.s32 @!p2 $0x100;
	[sflag:s1] =	ssyncset.done @!p2 $0x0  }
0x7a: {  	s26 =	simm.s32 @!p2 $0x200;
	[sflag:s1] =	ssyncadd.s32 @!p2 $0xFFFFC000;
	s1 =	simm.s32 @!p2 $0x80  }
0x7b: {  	[spmem:s2] =	stream.indirect.scatter.add.f32 @!p2 [tilespmem:s26], [sflag:$0x7], $0x80, s25, s1, $0xb8;
	[tilespmem:$0x1C200] =	vst v63  }
0x7c: {  	p1 =	sgt.u32 s22, $0x9C3;
	_ =	swait.ge @!p2 [sflag:s19], $0x4000  }
0x7d: {  	s1 =	sadd.s32 @!p1 s24, s14;
	[sflag:s19] =	ssyncset.done @!p2 $0x0  }
0x7e: {  	s25 =	simm.s32 @!p1 $0x0;
	s22 =	sadd.s32 @!p1 $0x400, s1;
	[sflag:s19] =	ssyncadd.s32 @!p2 $0xFFFFC000  }
0x7f: {  	[tilespmem:s25], [sflag:$0x3] =	stream.linear.gather @!p1 [hbm4b:s22+s25], $0x80, $0x38;
	[tilespmem:$0x1C200] =	vst v63  }
0x80: {  	s1 =	sadd.s32 @!p1 $0xA040, s1;
	s19 =	simm.s32 @!p1 $0x100;
	s22 =	simm.s32 @!p1 $0x3  }
0x81: {  	[tilespmem:s19], [sflag:$0x5] =	stream.linear.gather @!p1 [hbm4b:s1+s25], $0x80, $0x38;
	[tilespmem:$0x1C200] =	vst v63  }
0x82: {  	_ =	swait.ge @!p1 [sflag:s22], $0x80  }
0x83: {  	[sflag:s22] =	ssyncset.done @!p1 $0x0  }
0x84: {  	s1 =	simm.s32 @!p1 $0x5;
	[sflag:s22] =	ssyncadd.s32 @!p1 $0xFFFFFF80  }
0x85: {  	_ =	swait.ge @!p1 [sflag:s1], $0x80  }
0x86: {  	s19 =	simm.s32 @!p1 $0x200;
	[sflag:s1] =	ssyncset.done @!p1 $0x0  }
0x87: {  	s22 =	simm.s32 @!p1 $0x80;
	[sflag:s1] =	ssyncadd.s32 @!p1 $0xFFFFFF80;
	s1 =	simm.s32 @!p0 $0x2  }
0x88: {  	[tilespmem:s19], [sflag:$0x1] =	stream.indirect.gather @!p1 [hbm4b:s4+s22], $0x80, s25, s22, $0xb8;
	[tilespmem:$0x1C200] =	vst v63  }
0x89: {  	_ =	swait.ge @!p0 [sflag:s1], $0x4000  }
0x8a: {  	s17 =	sadd.s32 $0x60, s17;
	[sflag:s1] =	ssyncset.done @!p0 $0x0  }
0x8b: {  	s19 =	simm.s32 @!p0 $0x7;
	[sflag:s1] =	ssyncadd.s32 @!p0 $0xFFFFC000;
	s1 =	simm.s32 @!p0 $0x180  }
0x8c: {  	[spmem:s2] =	stream.indirect.scatter.add.f32 @!p0 [tilespmem:s5], [sflag:$0x7], $0x80, s1, s0, $0xb8;
	[tilespmem:$0x1C200] =	vst v63  }
0x8d: {  	s23 =	sadd.s32 $0x1, s23;
	p1 =	sgt.u32 s17, $0x9C3;
	_ =	swait.ge @!p0 [sflag:s19], $0x4000  }
0x8e: {  	s17 =	simm.s32 @!p1 $0x80;
	s1 =	sadd.s32 @!p1 s24, s14;
	[sflag:s19] =	ssyncset.done @!p0 $0x0  }
0x8f: {  	s0 =	simm.s32 @!p1 $0x0;
	s5 =	sadd.s32 @!p1 $0x600, s1;
	[sflag:s19] =	ssyncadd.s32 @!p0 $0xFFFFC000  }
0x90: {  	[tilespmem:s17], [sflag:$0x4] =	stream.linear.gather @!p1 [hbm4b:s5+s0], $0x80, $0x38;
	[tilespmem:$0x1C200] =	vst v63  }
0x91: {  	s1 =	sadd.s32 @!p1 $0xA240, s1;
	p0 =	sne.s32 s23, s13;
	s5 =	simm.s32 @!p1 $0x180  }
0x92: {  	[tilespmem:s5], [sflag:$0x6] =	stream.linear.gather @!p1 [hbm4b:s1+s0], $0x80, $0x38;
	[tilespmem:$0x1C200] =	vst v63  }
.Ltmp1:
0x93: {  	[bflag:$0x0] =	sbarrier.arrive $0xFFFF;
	(pc) =	sbr.rel @p0 .LBB2_1-.Ltmp1, $4  }
0x94: {  	[hbm:s12], [sflag:s8] =	dma.local [spmem:s15], $0x2800  }
0x95: {  	_ =	swait.ge [sflag:s16], $0x2800  }
0x96: {  	[sflag:s16] =	ssyncset.done $0x0  }
0x97: {  	[sflag:s16] =	ssyncadd.s32 $0xFFFFD800  }
0x98: {  	_ =	sfence.sel $0x180000  }
0x99: {  	[bflag:$0x0] =	sbarrier.arrive $0xFFFF  }
0x9a: {  	_ =	strace $0x9000004A  }
0x9b: {  	s0 =	stileid.u32;
	[bflag:$0x2] =	sbarrier.arrive $0xFFFF  }
0x9c: {  	p0 =	sne.s32 s0, $0x0;
	s0 =	rddreg [dreg:$0x3]  }
0x9d: {  	s0 =	sadd.s32 @!p0 $0x100000, s0  }
0x9e: {  	[sflag:s0] =	ssyncadd.tile.s32 @!p0 $0x1;
	_ =	shalt  }
.Lfunc_end2:
_tile_overlayer_lowered:
.L_overlay_start_2:
0x9f: {  	(tag) =	ssettag $0x2  }
0xa0: {  	s0 =	rddreg [dreg:$0x0];
	s2 =	stileid.u32  }
0xa1: {  	s1 =	rddreg [dreg:$0x1];
	p0 =	sne.s32 s2, $0x0  }
0xa2: {  	s3 =	rddreg [dreg:$0x2];
	[bflag:$0x3] =	sbarrier.arrive $0xFFFF;
	s2 =	simm.s32 @!p0 $0x1C07  }
0xa3: {  	[timem:s3], [sflag:s2] =	dma.local @!p0 [hbm:s0], s1  }
0xa4: {  	s0 =	simm.s32 @!p0 $0x7  }
0xa5: {  	_ =	swait.ge @!p0 [sflag:s0], s1  }
0xa6: {  	s1 =	ssub.s32 @!p0 $0x0, s1;
	[sflag:s0] =	ssyncset.done @!p0 $0x0  }
0xa7: {  	[sflag:s0] =	ssyncadd.s32 @!p0 s1  }
0xa8: {  	[bflag:$0x3] =	sbarrier.arrive $0xFFFF  }
0xa9: {  	_ =	shalt  }

</sc_bundles>
